<compile_context>
chip_gen: v7x
topology: tpu7x:2x2x1
jax: 0.10.2.dev20260603
libtpu: 0.0.44.dev20260713+nightly
codegen_flags: <defaults>
</compile_context>

<pallas_src>
import dataclasses
import functools

import jax
import jax.numpy as jnp
from jax import lax
from jax.experimental import pallas as pl
from jax.experimental.pallas import tpu as pltpu
from jax.experimental.pallas import tpu_sc as plsc

N = 10000
E = 320000
D = 128
NC = 2
NS = 16
NW = NC * NS
EPW = E // NW
K = 80
CH = EPW // K
SEG = 5
EPS = EPW // SEG
CHS = CH // SEG
NP = 10240
RPT = NP // NS
RB = 1024
GRID = NP // RB
DW = 16


def _leaky(x):
    return jnp.where(x >= 0, x, 0.01 * x)


def _embed_body(c_ref, e_ref, wp_ref, bp_ref, o_ref):
    y = lax.dot_general(c_ref[...], wp_ref[...], (((1,), (1,)), ((), ())),
                        preferred_element_type=jnp.float32) + bp_ref[...]
    o_ref[...] = e_ref[...] + _leaky(y)


def _embed(content_p, emb1_p, wp, bp):
    return pl.pallas_call(
        _embed_body,
        grid=(GRID,),
        in_specs=[
            pl.BlockSpec((RB, D), lambda i: (i, 0)),
            pl.BlockSpec((RB, D), lambda i: (i, 0)),
            pl.BlockSpec((D, D), lambda i: (0, 0)),
            pl.BlockSpec((1, D), lambda i: (0, 0)),
        ],
        out_specs=pl.BlockSpec((RB, D), lambda i: (i, 0)),
        out_shape=jax.ShapeDtypeStruct((NP, D), jnp.float32),
    )(content_p, emb1_p, wp, bp)


def _layer_body(relu, h_ref, agg_ref, deg_ref, w_ref, b_ref, o_ref):
    s = agg_ref[0] + agg_ref[1]
    dcol = (deg_ref[0] + deg_ref[1])[:, 0:1]
    inv = 1.0 / jnp.maximum(dcol, 1.0)
    h = h_ref[...]
    h_agg = s * inv
    w = w_ref[...]
    y = lax.dot_general(h, w[:, :D], (((1,), (1,)), ((), ())),
                        preferred_element_type=jnp.float32)
    y = y + lax.dot_general(h_agg, w[:, D:], (((1,), (1,)), ((), ())),
                            preferred_element_type=jnp.float32)
    y = y + b_ref[...]
    if relu:
        y = _leaky(y)
    nrm = jnp.maximum(jnp.sqrt(jnp.sum(y * y, axis=1, keepdims=True)), 1e-6)
    o_ref[...] = y / nrm


def _layer(h, agg, deg, w, b, relu):
    return pl.pallas_call(
        functools.partial(_layer_body, relu),
        grid=(GRID,),
        in_specs=[
            pl.BlockSpec((RB, D), lambda i: (i, 0)),
            pl.BlockSpec((NC, RB, D), lambda i: (0, i, 0)),
            pl.BlockSpec((NC, RB, D), lambda i: (0, i, 0)),
            pl.BlockSpec((D, 2 * D), lambda i: (0, 0)),
            pl.BlockSpec((1, D), lambda i: (0, 0)),
        ],
        out_specs=pl.BlockSpec((RB, D), lambda i: (i, 0)),
        out_shape=jax.ShapeDtypeStruct((NP, D), jnp.float32),
    )(h, agg, deg, w, b)


def _sc_mesh():
    return plsc.VectorSubcoreMesh(core_axis_name="c", subcore_axis_name="s")


def _sc_params():
    return pltpu.CompilerParams()


def _sc_scatter(h, src, dst3, with_deg):
    z = jnp.zeros((RPT, D), jnp.float32)

    out_type = [jax.ShapeDtypeStruct((NC, NP, D), jnp.float32)]
    scratch = [
        pltpu.VMEM_SHARED((NP, D), jnp.float32),
        pltpu.VMEM((K,), jnp.int32),
        pltpu.VMEM((K,), jnp.int32),
        pltpu.VMEM((K, D), jnp.float32),
        pltpu.SemaphoreType.DMA,
        pltpu.VMEM((K,), jnp.int32),
        pltpu.VMEM((K,), jnp.int32),
        pltpu.VMEM((K, D), jnp.float32),
        pltpu.SemaphoreType.DMA,
    ]
    if with_deg:
        out_type.append(jax.ShapeDtypeStruct((NC, NP, D), jnp.float32))

    def prologue(z_hbm, agg_sh):
        c = lax.axis_index("c")
        s = lax.axis_index("s")
        wid = c * NS + s
        row0 = s * RPT
        pltpu.sync_copy(z_hbm, agg_sh.at[pl.ds(row0, RPT)])
        return c, s, wid, row0

    def chunk_loop(h_hbm, src_hbm, dst_hbm, wid,
                   sa, da, ra, ma, sb, db, rb, mb, per_chunk):
        def stage_idx(buf_s, buf_d, j):
            base = pl.multiple_of(wid * EPW + j * K, 8)
            pltpu.sync_copy(src_hbm.at[pl.ds(base, K)], buf_s)
            pltpu.sync_copy(dst_hbm.at[pl.ds(base, K)], buf_d)

        stage_idx(sa, da, 0)
        pltpu.async_copy(h_hbm.at[sa], ra, ma)
        stage_idx(sb, db, 1)
        pltpu.async_copy(h_hbm.at[sb], rb, mb)

        @pl.loop(0, CH - 1, step=2)
        def _(j):
            pltpu.make_async_copy(h_hbm.at[sa], ra, ma).wait()
            per_chunk(ra, da)
            stage_idx(sa, da, j + 2)
            pltpu.async_copy(h_hbm.at[sa], ra, ma)
            pltpu.make_async_copy(h_hbm.at[sb], rb, mb).wait()
            per_chunk(rb, db)

            @pl.when(j + 3 < CH)
            def _():
                stage_idx(sb, db, j + 3)
                pltpu.async_copy(h_hbm.at[sb], rb, mb)

        pltpu.make_async_copy(h_hbm.at[sa], ra, ma).wait()
        per_chunk(ra, da)

    def writeback(agg_sh, agg_hbm, c, row0):
        plsc.subcore_barrier()
        pltpu.sync_copy(agg_sh.at[pl.ds(row0, RPT)],
                        agg_hbm.at[c, pl.ds(row0, RPT)])

    if with_deg:
        od = jnp.ones((K, D), jnp.float32)

        @functools.partial(pl.kernel, mesh=_sc_mesh(), out_type=out_type,
                           scratch_types=scratch,
                           compiler_params=_sc_params())
        def body(h_hbm, src_hbm, dst_hbm, z_hbm, od_hbm,
                 agg_hbm, deg_hbm,
                 agg_sh, sa, da, ra, ma, sb, db, rb, mb):
            c, s, wid, row0 = prologue(z_hbm, agg_sh)
            pltpu.sync_copy(od_hbm, ra)
            plsc.subcore_barrier()

            def dchunk(buf, m):
                base = pl.multiple_of(wid * EPW + m * K, 8)
                return dst_hbm.at[pl.ds(base, K)], buf

            pltpu.async_copy(*dchunk(da, 0), ma)

            @pl.loop(0, CH - 1, step=2)
            def _(j):
                pltpu.make_async_copy(*dchunk(da, 0), ma).wait()
                pltpu.async_copy(*dchunk(db, j + 1), mb)
                pltpu.sync_copy(ra, agg_sh.at[da], add=True)
                pltpu.make_async_copy(*dchunk(db, 0), mb).wait()
                pltpu.async_copy(*dchunk(da, j + 2), ma)
                pltpu.sync_copy(ra, agg_sh.at[db], add=True)

            pltpu.make_async_copy(*dchunk(da, 0), ma).wait()
            pltpu.sync_copy(ra, agg_sh.at[da], add=True)

            writeback(agg_sh, deg_hbm, c, row0)
            pltpu.sync_copy(z_hbm, agg_sh.at[pl.ds(row0, RPT)])
            plsc.subcore_barrier()

            def per_chunk(rows, didx):
                pltpu.sync_copy(rows, agg_sh.at[didx], add=True)

            chunk_loop(h_hbm, src_hbm, dst_hbm, wid,
                       sa, da, ra, ma, sb, db, rb, mb, per_chunk)
            writeback(agg_sh, agg_hbm, c, row0)

        return body(h, src, dst3, z, od)

    @functools.partial(pl.kernel, mesh=_sc_mesh(), out_type=out_type,
                       scratch_types=scratch,
                       compiler_params=_sc_params())
    def body(h_hbm, src_hbm, dst_hbm, z_hbm,
             agg_hbm,
             agg_sh, sa, da, ra, ma, sb, db, rb, mb):
        c, s, wid, row0 = prologue(z_hbm, agg_sh)
        plsc.subcore_barrier()

        def per_chunk(rows, didx):
            pltpu.sync_copy(rows, agg_sh.at[didx], add=True)

        chunk_loop(h_hbm, src_hbm, dst_hbm, wid,
                   sa, da, ra, ma, sb, db, rb, mb, per_chunk)
        writeback(agg_sh, agg_hbm, c, row0)

    return (body(h, src, dst3, z)[0], None)


def kernel(content, edge_index, emb, W_proj, b_proj, W0, b0, W1, b1):
    src = edge_index[0]
    dst3 = edge_index[1]
    pad = ((0, NP - N), (0, 0))
    content_p = jnp.pad(content, pad)
    emb1_p = jnp.pad(lax.slice_in_dim(emb, 1, N + 1, axis=0), pad)
    h0 = _embed(content_p, emb1_p, W_proj, b_proj.reshape(1, D))
    agg0, deg = _sc_scatter(h0, src, dst3, with_deg=True)
    h1 = _layer(h0, agg0, deg, W0, b0.reshape(1, D), relu=True)
    agg1, _ = _sc_scatter(h1, src, dst3, with_deg=False)
    out = _layer(h1, agg1, deg, W1, b1.reshape(1, D), relu=False)
    return out[:N]

# --- scband reference (transcript-rebuilt; emitter-appended) ---
"""Pipeline reference for scband-graph-sage-with-sampling-46583215292520 (READ-ONLY COPY).

The authoritative reference and input builder live on the scoring server;
editing this copy changes nothing except your own understanding.
"""

import jax, jax.numpy as jnp
import numpy as np

N = 10000
E = 320000
D = 128  # feature_size
C = 128  # n_content_dims
N_LAYERS = 2


def setup_inputs(seed: int = 0) -> dict:
    key = jax.random.key(seed)
    ks = jax.random.split(key, 10)
    content = jax.random.normal(ks[0], (N, C), dtype=jnp.float32)
    edge_index = jax.random.randint(ks[1], (2, E), 0, N, dtype=jnp.int32)
    # node embedding table: Embedding(N+1, D), init normal(std=1/D)
    emb = jax.random.normal(ks[2], (N + 1, D), dtype=jnp.float32) * (1.0 / D)
    # proj linear: Linear(C, D)
    W_proj = jax.random.normal(ks[3], (D, C), dtype=jnp.float32) * (1.0 / np.sqrt(C))
    b_proj = jnp.zeros((D,), dtype=jnp.float32)
    # conv layers: Linear(2D, D) each
    W0 = jax.random.normal(ks[4], (D, 2 * D), dtype=jnp.float32) * (1.0 / np.sqrt(2 * D))
    b0 = jnp.zeros((D,), dtype=jnp.float32)
    W1 = jax.random.normal(ks[5], (D, 2 * D), dtype=jnp.float32) * (1.0 / np.sqrt(2 * D))
    b1 = jnp.zeros((D,), dtype=jnp.float32)
    return {"content": content, "edge_index": edge_index, "emb": emb,
            "W_proj": W_proj, "b_proj": b_proj,
            "W0": W0, "b0": b0, "W1": W1, "b1": b1}


def reference(content, edge_index, emb, W_proj, b_proj, W0, b0, W1, b1):
    n = content.shape[0]
    src = edge_index[0]
    dst = edge_index[1]
    # h = node_emb(nid + 1) + proj(content); proj = Dropout(eval no-op) -> Linear -> LeakyReLU
    node_ids = jnp.arange(n) + 1
    h = jnp.take(emb, node_ids, axis=0) + jax.nn.leaky_relu(content @ W_proj.T + b_proj)
    ones_e = jnp.ones((src.shape[0],), dtype=jnp.float32)
    # w counts the sampled neighborhood incl. the node itself (NodeFlow self in neighborhood)
    deg = jax.ops.segment_sum(ones_e, dst, num_segments=n)
    w = deg + 1.0
    Ws = [W0, W1]
    bs = [b0, b1]
    for i in range(N_LAYERS):
        # message: copy_src('h'), reduce: sum -> h_agg; self-loop included
        agg = jax.ops.segment_sum(jnp.take(h, src, axis=0), dst, num_segments=n) + h
        h_agg = (agg - h) / jnp.maximum(w - 1.0, 1.0)[:, None]
        h_concat = jnp.concatenate([h, h_agg], axis=1)
        h_new = h_concat @ Ws[i].T + bs[i]
        if i < N_LAYERS - 1:
            h_new = jax.nn.leaky_relu(h_new)
        nrm = jnp.maximum(jnp.linalg.norm(h_new, axis=1, keepdims=True), 1e-6)
        h = h_new / nrm
    return h

if __name__ == "__main__":
    import jax
    _d = setup_inputs()
    print(jax.jit(kernel)(*tuple(_d.values())))

</pallas_src>

<mosaic_0001>
#map = affine_map<(d0, d1) -> (0, 0)>
#map1 = affine_map<(d0, d1) -> (0)>
#map2 = affine_map<(d0, d1) -> (0, 0, 0)>
module attributes {stable_mosaic.version = 14 : i64} {
  func.func @body(%arg0: i32, %arg1: i32, %arg2: memref<10240x128xf32, #tpu.memory_space<hbm>>, %arg3: memref<320000xi32, #tpu.memory_space<hbm>>, %arg4: memref<320000xi32, #tpu.memory_space<hbm>>, %arg5: memref<640x128xf32, #tpu.memory_space<hbm>>, %arg6: memref<80x128xf32, #tpu.memory_space<hbm>>, %arg7: memref<2x10240x128xf32, #tpu.memory_space<hbm>>, %arg8: memref<2x10240x128xf32, #tpu.memory_space<hbm>>, %arg9: memref<10240x128xf32, #tpu.memory_space<vmem_shared>>, %arg10: memref<80xi32, #tpu.memory_space<vmem>>, %arg11: memref<80xi32, #tpu.memory_space<vmem>>, %arg12: memref<80x128xf32, #tpu.memory_space<vmem>>, %arg13: memref<!tpu.dma_semaphore, #tpu.memory_space<semaphore_mem>>, %arg14: memref<80xi32, #tpu.memory_space<vmem>>, %arg15: memref<80xi32, #tpu.memory_space<vmem>>, %arg16: memref<80x128xf32, #tpu.memory_space<vmem>>, %arg17: memref<!tpu.dma_semaphore, #tpu.memory_space<semaphore_mem>>) attributes {dimension_semantics = [#tpu.dimension_semantics<core_parallel>, #tpu.dimension_semantics<subcore_parallel>], iteration_bounds = array<i64: 2, 16>, scalar_prefetch = 0 : i64, scratch_operands = 9 : i64, tpu.core_type = #tpu.core_type<sc_vector_subcore>, window_params = [{transform_indices = #map}, {transform_indices = #map1}, {transform_indices = #map1}, {transform_indices = #map}, {transform_indices = #map}, {transform_indices = #map2}, {transform_indices = #map2}]} {
    %mul3A = arith.constant 16 : i32
    %mul3A_0 = arith.muli %arg0, %mul3A : i32
    %add3A = arith.addi %mul3A_0, %arg1 : i32
    %mul3A_1 = arith.constant 640 : i32
    %mul3A_2 = arith.muli %arg1, %mul3A_1 : i32
    "tpu.region"() ({
      %run_scoped3A = tpu.sem_alloc : memref<!tpu.dma_semaphore, #tpu.memory_space<semaphore_mem>>
      %dma_start3A_45 = arith.constant 0 : i32
      %dma_start3A_46 = tpu.memref_slice %arg9[%mul3A_2, %dma_start3A_45] : memref<10240x128xf32, #tpu.memory_space<vmem_shared>> -> memref<640x128xf32, #tpu.memory_space<vmem_shared>>
      tpu.enqueue_dma source(%arg5 : memref<640x128xf32, #tpu.memory_space<hbm>>) target(%dma_start3A_46 : memref<640x128xf32, #tpu.memory_space<vmem_shared>>) target_semaphore(%run_scoped3A : memref<!tpu.dma_semaphore, #tpu.memory_space<semaphore_mem>>)
      %dma_wait3A_47 = arith.constant 0 : i32
      %dma_wait3A_48 = tpu.memref_slice %arg9[%mul3A_2, %dma_wait3A_47] : memref<10240x128xf32, #tpu.memory_space<vmem_shared>> -> memref<640x128xf32, #tpu.memory_space<vmem_shared>>
      tpu.wait_dma2 semaphore(%run_scoped3A : memref<!tpu.dma_semaphore, #tpu.memory_space<semaphore_mem>>) src(%arg5 : memref<640x128xf32, #tpu.memory_space<hbm>>) dst(%dma_wait3A_48 : memref<640x128xf32, #tpu.memory_space<vmem_shared>>)
      tpu.yield
    }) : () -> ()
    "tpu.region"() ({
      %run_scoped3A = tpu.sem_alloc : memref<!tpu.dma_semaphore, #tpu.memory_space<semaphore_mem>>
      tpu.enqueue_dma source(%arg6 : memref<80x128xf32, #tpu.memory_space<hbm>>) target(%arg12 : memref<80x128xf32, #tpu.memory_space<vmem>>) target_semaphore(%run_scoped3A : memref<!tpu.dma_semaphore, #tpu.memory_space<semaphore_mem>>)
      tpu.wait_dma2 semaphore(%run_scoped3A : memref<!tpu.dma_semaphore, #tpu.memory_space<semaphore_mem>>) src(%arg6 : memref<80x128xf32, #tpu.memory_space<hbm>>) dst(%arg12 : memref<80x128xf32, #tpu.memory_space<vmem>>)
      tpu.yield
    }) : () -> ()
    %barrier3A = arith.constant 0 : index
    tpu.barrier barrier_id(%barrier3A)
    %mul3A_3 = arith.constant 10000 : i32
    %mul3A_4 = arith.muli %add3A, %mul3A_3 : i32
    %add3A_5 = arith.constant 0 : i32
    %add3A_6 = arith.addi %mul3A_4, %add3A_5 : i32
    %multiple_of3A = tpu.assume_multiple %add3A_6, 8 : i32
    %dma_start3A = tpu.memref_slice %arg4[%multiple_of3A] : memref<320000xi32, #tpu.memory_space<hbm>> -> memref<80xi32, #tpu.memory_space<hbm>>
    %dma_start3A_7 = tpu.memref_slice %arg4[%multiple_of3A] : memref<320000xi32, #tpu.memory_space<hbm>> -> memref<80xi32, #tpu.memory_space<hbm>>
    tpu.enqueue_dma source(%dma_start3A_7 : memref<80xi32, #tpu.memory_space<hbm>>) target(%arg11 : memref<80xi32, #tpu.memory_space<vmem>>) target_semaphore(%arg13 : memref<!tpu.dma_semaphore, #tpu.memory_space<semaphore_mem>>)
    %scan3A = arith.constant 0 : i32
    %scan3A_8 = arith.constant 62 : i32
    %scan3A_9 = arith.addi %scan3A, %scan3A_8 : i32
    %scan3A_10 = arith.constant 1 : i32
    scf.for %scan3A_45 = %scan3A to %scan3A_9 step %scan3A_10  : i32 {
      %mul3A_46 = arith.constant 2 : i32
      %mul3A_47 = arith.muli %scan3A_45, %mul3A_46 : i32
      %add3A_48 = arith.constant 0 : i32
      %add3A_49 = arith.addi %add3A_48, %mul3A_47 : i32
      %mul3A_50 = arith.constant 10000 : i32
      %mul3A_51 = arith.muli %add3A, %mul3A_50 : i32
      %add3A_52 = arith.constant 0 : i32
      %add3A_53 = arith.addi %mul3A_51, %add3A_52 : i32
      %multiple_of3A_54 = tpu.assume_multiple %add3A_53, 8 : i32
      %dma_wait3A_55 = tpu.memref_slice %arg4[%multiple_of3A_54] : memref<320000xi32, #tpu.memory_space<hbm>> -> memref<80xi32, #tpu.memory_space<hbm>>
      %dma_wait3A_56 = tpu.memref_slice %arg4[%multiple_of3A_54] : memref<320000xi32, #tpu.memory_space<hbm>> -> memref<80xi32, #tpu.memory_space<hbm>>
      tpu.wait_dma2 semaphore(%arg13 : memref<!tpu.dma_semaphore, #tpu.memory_space<semaphore_mem>>) src(%dma_wait3A_56 : memref<80xi32, #tpu.memory_space<hbm>>) dst(%arg11 : memref<80xi32, #tpu.memory_space<vmem>>)
      %add3A_57 = arith.constant 1 : i32
      %add3A_58 = arith.addi %add3A_49, %add3A_57 : i32
      %mul3A_59 = arith.constant 10000 : i32
      %mul3A_60 = arith.muli %add3A, %mul3A_59 : i32
      %mul3A_61 = arith.constant 80 : i32
      %mul3A_62 = arith.muli %add3A_58, %mul3A_61 : i32
      %add3A_63 = arith.addi %mul3A_60, %mul3A_62 : i32
      %multiple_of3A_64 = tpu.assume_multiple %add3A_63, 8 : i32
      %dma_start3A_65 = tpu.memref_slice %arg4[%multiple_of3A_64] : memref<320000xi32, #tpu.memory_space<hbm>> -> memref<80xi32, #tpu.memory_space<hbm>>
      %dma_start3A_66 = tpu.memref_slice %arg4[%multiple_of3A_64] : memref<320000xi32, #tpu.memory_space<hbm>> -> memref<80xi32, #tpu.memory_space<hbm>>
      tpu.enqueue_dma source(%dma_start3A_66 : memref<80xi32, #tpu.memory_space<hbm>>) target(%arg15 : memref<80xi32, #tpu.memory_space<vmem>>) target_semaphore(%arg17 : memref<!tpu.dma_semaphore, #tpu.memory_space<semaphore_mem>>)
      "tpu.region"() ({
        %run_scoped3A = tpu.sem_alloc : memref<!tpu.dma_semaphore, #tpu.memory_space<semaphore_mem>>
        %dma_start3A_84 = arith.constant 0 : i32
        %dma_start3A_85 = arith.constant 0 : i32
        %dma_start3A_86 = tpu.memref_slice %arg9[%dma_start3A_84, %dma_start3A_85] : memref<10240x128xf32, #tpu.memory_space<vmem_shared>> -> memref<10240x128xf32, #tpu.memory_space<vmem_shared>>
        tpu.enqueue_indirect_dma source(%arg12 : memref<80x128xf32, #tpu.memory_space<vmem>>) target(%dma_start3A_86 : memref<10240x128xf32, #tpu.memory_space<vmem_shared>>) offsets(%arg11 : memref<80xi32, #tpu.memory_space<vmem>>) semaphore(%run_scoped3A : memref<!tpu.dma_semaphore, #tpu.memory_space<semaphore_mem>>) {add = true}
        %dma_wait3A_87 = arith.constant 0 : i32
        %dma_wait3A_88 = arith.constant 0 : i32
        %dma_wait3A_89 = tpu.memref_slice %arg9[%dma_wait3A_87, %dma_wait3A_88] : memref<10240x128xf32, #tpu.memory_space<vmem_shared>> -> memref<10240x128xf32, #tpu.memory_space<vmem_shared>>
        tpu.wait_indirect_dma semaphore(%run_scoped3A : memref<!tpu.dma_semaphore, #tpu.memory_space<semaphore_mem>>) src(%arg12 : memref<80x128xf32, #tpu.memory_space<vmem>>) dst(%dma_wait3A_89 : memref<10240x128xf32, #tpu.memory_space<vmem_shared>>)
        tpu.yield
      }) : () -> ()
      %mul3A_67 = arith.constant 10000 : i32
      %mul3A_68 = arith.muli %add3A, %mul3A_67 : i32
      %add3A_69 = arith.constant 0 : i32
      %add3A_70 = arith.addi %mul3A_68, %add3A_69 : i32
      %multiple_of3A_71 = tpu.assume_multiple %add3A_70, 8 : i32
      %dma_wait3A_72 = tpu.memref_slice %arg4[%multiple_of3A_71] : memref<320000xi32, #tpu.memory_space<hbm>> -> memref<80xi32, #tpu.memory_space<hbm>>
      %dma_wait3A_73 = tpu.memref_slice %arg4[%multiple_of3A_71] : memref<320000xi32, #tpu.memory_space<hbm>> -> memref<80xi32, #tpu.memory_space<hbm>>
      tpu.wait_dma2 semaphore(%arg17 : memref<!tpu.dma_semaphore, #tpu.memory_space<semaphore_mem>>) src(%dma_wait3A_73 : memref<80xi32, #tpu.memory_space<hbm>>) dst(%arg15 : memref<80xi32, #tpu.memory_space<vmem>>)
      %add3A_74 = arith.constant 2 : i32
      %add3A_75 = arith.addi %add3A_49, %add3A_74 : i32
      %mul3A_76 = arith.constant 10000 : i32
      %mul3A_77 = arith.muli %add3A, %mul3A_76 : i32
      %mul3A_78 = arith.constant 80 : i32
      %mul3A_79 = arith.muli %add3A_75, %mul3A_78 : i32
      %add3A_80 = arith.addi %mul3A_77, %mul3A_79 : i32
      %multiple_of3A_81 = tpu.assume_multiple %add3A_80, 8 : i32
      %dma_start3A_82 = tpu.memref_slice %arg4[%multiple_of3A_81] : memref<320000xi32, #tpu.memory_space<hbm>> -> memref<80xi32, #tpu.memory_space<hbm>>
      %dma_start3A_83 = tpu.memref_slice %arg4[%multiple_of3A_81] : memref<320000xi32, #tpu.memory_space<hbm>> -> memref<80xi32, #tpu.memory_space<hbm>>
      tpu.enqueue_dma source(%dma_start3A_83 : memref<80xi32, #tpu.memory_space<hbm>>) target(%arg11 : memref<80xi32, #tpu.memory_space<vmem>>) target_semaphore(%arg13 : memref<!tpu.dma_semaphore, #tpu.memory_space<semaphore_mem>>)
      "tpu.region"() ({
        %run_scoped3A = tpu.sem_alloc : memref<!tpu.dma_semaphore, #tpu.memory_space<semaphore_mem>>
        %dma_start3A_84 = arith.constant 0 : i32
        %dma_start3A_85 = arith.constant 0 : i32
        %dma_start3A_86 = tpu.memref_slice %arg9[%dma_start3A_84, %dma_start3A_85] : memref<10240x128xf32, #tpu.memory_space<vmem_shared>> -> memref<10240x128xf32, #tpu.memory_space<vmem_shared>>
        tpu.enqueue_indirect_dma source(%arg12 : memref<80x128xf32, #tpu.memory_space<vmem>>) target(%dma_start3A_86 : memref<10240x128xf32, #tpu.memory_space<vmem_shared>>) offsets(%arg15 : memref<80xi32, #tpu.memory_space<vmem>>) semaphore(%run_scoped3A : memref<!tpu.dma_semaphore, #tpu.memory_space<semaphore_mem>>) {add = true}
        %dma_wait3A_87 = arith.constant 0 : i32
        %dma_wait3A_88 = arith.constant 0 : i32
        %dma_wait3A_89 = tpu.memref_slice %arg9[%dma_wait3A_87, %dma_wait3A_88] : memref<10240x128xf32, #tpu.memory_space<vmem_shared>> -> memref<10240x128xf32, #tpu.memory_space<vmem_shared>>
        tpu.wait_indirect_dma semaphore(%run_scoped3A : memref<!tpu.dma_semaphore, #tpu.memory_space<semaphore_mem>>) src(%arg12 : memref<80x128xf32, #tpu.memory_space<vmem>>) dst(%dma_wait3A_89 : memref<10240x128xf32, #tpu.memory_space<vmem_shared>>)
        tpu.yield
      }) : () -> ()
    }
    %scan3A_11 = arith.constant 62 : i32
    %mul3A_12 = arith.constant 10000 : i32
    %mul3A_13 = arith.muli %add3A, %mul3A_12 : i32
    %add3A_14 = arith.constant 0 : i32
    %add3A_15 = arith.addi %mul3A_13, %add3A_14 : i32
    %multiple_of3A_16 = tpu.assume_multiple %add3A_15, 8 : i32
    %dma_wait3A = tpu.memref_slice %arg4[%multiple_of3A_16] : memref<320000xi32, #tpu.memory_space<hbm>> -> memref<80xi32, #tpu.memory_space<hbm>>
    %dma_wait3A_17 = tpu.memref_slice %arg4[%multiple_of3A_16] : memref<320000xi32, #tpu.memory_space<hbm>> -> memref<80xi32, #tpu.memory_space<hbm>>
    tpu.wait_dma2 semaphore(%arg13 : memref<!tpu.dma_semaphore, #tpu.memory_space<semaphore_mem>>) src(%dma_wait3A_17 : memref<80xi32, #tpu.memory_space<hbm>>) dst(%arg11 : memref<80xi32, #tpu.memory_space<vmem>>)
    "tpu.region"() ({
      %run_scoped3A = tpu.sem_alloc : memref<!tpu.dma_semaphore, #tpu.memory_space<semaphore_mem>>
      %dma_start3A_45 = arith.constant 0 : i32
      %dma_start3A_46 = arith.constant 0 : i32
      %dma_start3A_47 = tpu.memref_slice %arg9[%dma_start3A_45, %dma_start3A_46] : memref<10240x128xf32, #tpu.memory_space<vmem_shared>> -> memref<10240x128xf32, #tpu.memory_space<vmem_shared>>
      tpu.enqueue_indirect_dma source(%arg12 : memref<80x128xf32, #tpu.memory_space<vmem>>) target(%dma_start3A_47 : memref<10240x128xf32, #tpu.memory_space<vmem_shared>>) offsets(%arg11 : memref<80xi32, #tpu.memory_space<vmem>>) semaphore(%run_scoped3A : memref<!tpu.dma_semaphore, #tpu.memory_space<semaphore_mem>>) {add = true}
      %dma_wait3A_48 = arith.constant 0 : i32
      %dma_wait3A_49 = arith.constant 0 : i32
      %dma_wait3A_50 = tpu.memref_slice %arg9[%dma_wait3A_48, %dma_wait3A_49] : memref<10240x128xf32, #tpu.memory_space<vmem_shared>> -> memref<10240x128xf32, #tpu.memory_space<vmem_shared>>
      tpu.wait_indirect_dma semaphore(%run_scoped3A : memref<!tpu.dma_semaphore, #tpu.memory_space<semaphore_mem>>) src(%arg12 : memref<80x128xf32, #tpu.memory_space<vmem>>) dst(%dma_wait3A_50 : memref<10240x128xf32, #tpu.memory_space<vmem_shared>>)
      tpu.yield
    }) : () -> ()
    %barrier3A_18 = arith.constant 0 : index
    tpu.barrier barrier_id(%barrier3A_18)
    "tpu.region"() ({
      %run_scoped3A = tpu.sem_alloc : memref<!tpu.dma_semaphore, #tpu.memory_space<semaphore_mem>>
      %dma_start3A_45 = arith.constant 0 : i32
      %dma_start3A_46 = tpu.memref_slice %arg8[%arg0, %mul3A_2, %dma_start3A_45] : memref<2x10240x128xf32, #tpu.memory_space<hbm>> -> memref<1x640x128xf32, #tpu.memory_space<hbm>>
      %dma_start3A_47 = tpu.memref_squeeze %dma_start3A_46 : memref<1x640x128xf32, #tpu.memory_space<hbm>> -> memref<640x128xf32, #tpu.memory_space<hbm>>
      %dma_start3A_48 = arith.constant 0 : i32
      %dma_start3A_49 = tpu.memref_slice %arg9[%mul3A_2, %dma_start3A_48] : memref<10240x128xf32, #tpu.memory_space<vmem_shared>> -> memref<640x128xf32, #tpu.memory_space<vmem_shared>>
      tpu.enqueue_dma source(%dma_start3A_49 : memref<640x128xf32, #tpu.memory_space<vmem_shared>>) target(%dma_start3A_47 : memref<640x128xf32, #tpu.memory_space<hbm>>) target_semaphore(%run_scoped3A : memref<!tpu.dma_semaphore, #tpu.memory_space<semaphore_mem>>)
      %dma_wait3A_50 = arith.constant 0 : i32
      %dma_wait3A_51 = tpu.memref_slice %arg8[%arg0, %mul3A_2, %dma_wait3A_50] : memref<2x10240x128xf32, #tpu.memory_space<hbm>> -> memref<1x640x128xf32, #tpu.memory_space<hbm>>
      %dma_wait3A_52 = tpu.memref_squeeze %dma_wait3A_51 : memref<1x640x128xf32, #tpu.memory_space<hbm>> -> memref<640x128xf32, #tpu.memory_space<hbm>>
      %dma_wait3A_53 = arith.constant 0 : i32
      %dma_wait3A_54 = tpu.memref_slice %arg9[%mul3A_2, %dma_wait3A_53] : memref<10240x128xf32, #tpu.memory_space<vmem_shared>> -> memref<640x128xf32, #tpu.memory_space<vmem_shared>>
      tpu.wait_dma2 semaphore(%run_scoped3A : memref<!tpu.dma_semaphore, #tpu.memory_space<semaphore_mem>>) src(%dma_wait3A_54 : memref<640x128xf32, #tpu.memory_space<vmem_shared>>) dst(%dma_wait3A_52 : memref<640x128xf32, #tpu.memory_space<hbm>>)
      tpu.yield
    }) : () -> ()
    "tpu.region"() ({
      %run_scoped3A = tpu.sem_alloc : memref<!tpu.dma_semaphore, #tpu.memory_space<semaphore_mem>>
      %dma_start3A_45 = arith.constant 0 : i32
      %dma_start3A_46 = tpu.memref_slice %arg9[%mul3A_2, %dma_start3A_45] : memref<10240x128xf32, #tpu.memory_space<vmem_shared>> -> memref<640x128xf32, #tpu.memory_space<vmem_shared>>
      tpu.enqueue_dma source(%arg5 : memref<640x128xf32, #tpu.memory_space<hbm>>) target(%dma_start3A_46 : memref<640x128xf32, #tpu.memory_space<vmem_shared>>) target_semaphore(%run_scoped3A : memref<!tpu.dma_semaphore, #tpu.memory_space<semaphore_mem>>)
      %dma_wait3A_47 = arith.constant 0 : i32
      %dma_wait3A_48 = tpu.memref_slice %arg9[%mul3A_2, %dma_wait3A_47] : memref<10240x128xf32, #tpu.memory_space<vmem_shared>> -> memref<640x128xf32, #tpu.memory_space<vmem_shared>>
      tpu.wait_dma2 semaphore(%run_scoped3A : memref<!tpu.dma_semaphore, #tpu.memory_space<semaphore_mem>>) src(%arg5 : memref<640x128xf32, #tpu.memory_space<hbm>>) dst(%dma_wait3A_48 : memref<640x128xf32, #tpu.memory_space<vmem_shared>>)
      tpu.yield
    }) : () -> ()
    %barrier3A_19 = arith.constant 0 : index
    tpu.barrier barrier_id(%barrier3A_19)
    %mul3A_20 = arith.constant 10000 : i32
    %mul3A_21 = arith.muli %add3A, %mul3A_20 : i32
    %add3A_22 = arith.constant 0 : i32
    %add3A_23 = arith.addi %mul3A_21, %add3A_22 : i32
    %multiple_of3A_24 = tpu.assume_multiple %add3A_23, 8 : i32
    "tpu.region"() ({
      %run_scoped3A = tpu.sem_alloc : memref<!tpu.dma_semaphore, #tpu.memory_space<semaphore_mem>>
      %dma_start3A_45 = tpu.memref_slice %arg3[%multiple_of3A_24] : memref<320000xi32, #tpu.memory_space<hbm>> -> memref<80xi32, #tpu.memory_space<hbm>>
      %dma_start3A_46 = tpu.memref_slice %arg3[%multiple_of3A_24] : memref<320000xi32, #tpu.memory_space<hbm>> -> memref<80xi32, #tpu.memory_space<hbm>>
      tpu.enqueue_dma source(%dma_start3A_46 : memref<80xi32, #tpu.memory_space<hbm>>) target(%arg10 : memref<80xi32, #tpu.memory_space<vmem>>) target_semaphore(%run_scoped3A : memref<!tpu.dma_semaphore, #tpu.memory_space<semaphore_mem>>)
      %dma_wait3A_47 = tpu.memref_slice %arg3[%multiple_of3A_24] : memref<320000xi32, #tpu.memory_space<hbm>> -> memref<80xi32, #tpu.memory_space<hbm>>
      %dma_wait3A_48 = tpu.memref_slice %arg3[%multiple_of3A_24] : memref<320000xi32, #tpu.memory_space<hbm>> -> memref<80xi32, #tpu.memory_space<hbm>>
      tpu.wait_dma2 semaphore(%run_scoped3A : memref<!tpu.dma_semaphore, #tpu.memory_space<semaphore_mem>>) src(%dma_wait3A_48 : memref<80xi32, #tpu.memory_space<hbm>>) dst(%arg10 : memref<80xi32, #tpu.memory_space<vmem>>)
      tpu.yield
    }) : () -> ()
    "tpu.region"() ({
      %run_scoped3A = tpu.sem_alloc : memref<!tpu.dma_semaphore, #tpu.memory_space<semaphore_mem>>
      %dma_start3A_45 = tpu.memref_slice %arg4[%multiple_of3A_24] : memref<320000xi32, #tpu.memory_space<hbm>> -> memref<80xi32, #tpu.memory_space<hbm>>
      %dma_start3A_46 = tpu.memref_slice %arg4[%multiple_of3A_24] : memref<320000xi32, #tpu.memory_space<hbm>> -> memref<80xi32, #tpu.memory_space<hbm>>
      tpu.enqueue_dma source(%dma_start3A_46 : memref<80xi32, #tpu.memory_space<hbm>>) target(%arg11 : memref<80xi32, #tpu.memory_space<vmem>>) target_semaphore(%run_scoped3A : memref<!tpu.dma_semaphore, #tpu.memory_space<semaphore_mem>>)
      %dma_wait3A_47 = tpu.memref_slice %arg4[%multiple_of3A_24] : memref<320000xi32, #tpu.memory_space<hbm>> -> memref<80xi32, #tpu.memory_space<hbm>>
      %dma_wait3A_48 = tpu.memref_slice %arg4[%multiple_of3A_24] : memref<320000xi32, #tpu.memory_space<hbm>> -> memref<80xi32, #tpu.memory_space<hbm>>
      tpu.wait_dma2 semaphore(%run_scoped3A : memref<!tpu.dma_semaphore, #tpu.memory_space<semaphore_mem>>) src(%dma_wait3A_48 : memref<80xi32, #tpu.memory_space<hbm>>) dst(%arg11 : memref<80xi32, #tpu.memory_space<vmem>>)
      tpu.yield
    }) : () -> ()
    %dma_start3A_25 = arith.constant 0 : i32
    %dma_start3A_26 = arith.constant 0 : i32
    %dma_start3A_27 = tpu.memref_slice %arg2[%dma_start3A_25, %dma_start3A_26] : memref<10240x128xf32, #tpu.memory_space<hbm>> -> memref<10240x128xf32, #tpu.memory_space<hbm>>
    tpu.enqueue_indirect_dma source(%dma_start3A_27 : memref<10240x128xf32, #tpu.memory_space<hbm>>) target(%arg12 : memref<80x128xf32, #tpu.memory_space<vmem>>) offsets(%arg10 : memref<80xi32, #tpu.memory_space<vmem>>) semaphore(%arg13 : memref<!tpu.dma_semaphore, #tpu.memory_space<semaphore_mem>>)
    %mul3A_28 = arith.constant 10000 : i32
    %mul3A_29 = arith.muli %add3A, %mul3A_28 : i32
    %add3A_30 = arith.constant 80 : i32
    %add3A_31 = arith.addi %mul3A_29, %add3A_30 : i32
    %multiple_of3A_32 = tpu.assume_multiple %add3A_31, 8 : i32
    "tpu.region"() ({
      %run_scoped3A = tpu.sem_alloc : memref<!tpu.dma_semaphore, #tpu.memory_space<semaphore_mem>>
      %dma_start3A_45 = tpu.memref_slice %arg3[%multiple_of3A_32] : memref<320000xi32, #tpu.memory_space<hbm>> -> memref<80xi32, #tpu.memory_space<hbm>>
      %dma_start3A_46 = tpu.memref_slice %arg3[%multiple_of3A_32] : memref<320000xi32, #tpu.memory_space<hbm>> -> memref<80xi32, #tpu.memory_space<hbm>>
      tpu.enqueue_dma source(%dma_start3A_46 : memref<80xi32, #tpu.memory_space<hbm>>) target(%arg14 : memref<80xi32, #tpu.memory_space<vmem>>) target_semaphore(%run_scoped3A : memref<!tpu.dma_semaphore, #tpu.memory_space<semaphore_mem>>)
      %dma_wait3A_47 = tpu.memref_slice %arg3[%multiple_of3A_32] : memref<320000xi32, #tpu.memory_space<hbm>> -> memref<80xi32, #tpu.memory_space<hbm>>
      %dma_wait3A_48 = tpu.memref_slice %arg3[%multiple_of3A_32] : memref<320000xi32, #tpu.memory_space<hbm>> -> memref<80xi32, #tpu.memory_space<hbm>>
      tpu.wait_dma2 semaphore(%run_scoped3A : memref<!tpu.dma_semaphore, #tpu.memory_space<semaphore_mem>>) src(%dma_wait3A_48 : memref<80xi32, #tpu.memory_space<hbm>>) dst(%arg14 : memref<80xi32, #tpu.memory_space<vmem>>)
      tpu.yield
    }) : () -> ()
    "tpu.region"() ({
      %run_scoped3A = tpu.sem_alloc : memref<!tpu.dma_semaphore, #tpu.memory_space<semaphore_mem>>
      %dma_start3A_45 = tpu.memref_slice %arg4[%multiple_of3A_32] : memref<320000xi32, #tpu.memory_space<hbm>> -> memref<80xi32, #tpu.memory_space<hbm>>
      %dma_start3A_46 = tpu.memref_slice %arg4[%multiple_of3A_32] : memref<320000xi32, #tpu.memory_space<hbm>> -> memref<80xi32, #tpu.memory_space<hbm>>
      tpu.enqueue_dma source(%dma_start3A_46 : memref<80xi32, #tpu.memory_space<hbm>>) target(%arg15 : memref<80xi32, #tpu.memory_space<vmem>>) target_semaphore(%run_scoped3A : memref<!tpu.dma_semaphore, #tpu.memory_space<semaphore_mem>>)
      %dma_wait3A_47 = tpu.memref_slice %arg4[%multiple_of3A_32] : memref<320000xi32, #tpu.memory_space<hbm>> -> memref<80xi32, #tpu.memory_space<hbm>>
      %dma_wait3A_48 = tpu.memref_slice %arg4[%multiple_of3A_32] : memref<320000xi32, #tpu.memory_space<hbm>> -> memref<80xi32, #tpu.memory_space<hbm>>
      tpu.wait_dma2 semaphore(%run_scoped3A : memref<!tpu.dma_semaphore, #tpu.memory_space<semaphore_mem>>) src(%dma_wait3A_48 : memref<80xi32, #tpu.memory_space<hbm>>) dst(%arg15 : memref<80xi32, #tpu.memory_space<vmem>>)
      tpu.yield
    }) : () -> ()
    %dma_start3A_33 = arith.constant 0 : i32
    %dma_start3A_34 = arith.constant 0 : i32
    %dma_start3A_35 = tpu.memref_slice %arg2[%dma_start3A_33, %dma_start3A_34] : memref<10240x128xf32, #tpu.memory_space<hbm>> -> memref<10240x128xf32, #tpu.memory_space<hbm>>
    tpu.enqueue_indirect_dma source(%dma_start3A_35 : memref<10240x128xf32, #tpu.memory_space<hbm>>) target(%arg16 : memref<80x128xf32, #tpu.memory_space<vmem>>) offsets(%arg14 : memref<80xi32, #tpu.memory_space<vmem>>) semaphore(%arg17 : memref<!tpu.dma_semaphore, #tpu.memory_space<semaphore_mem>>)
    %scan3A_36 = arith.constant 0 : i32
    %scan3A_37 = arith.constant 62 : i32
    %scan3A_38 = arith.addi %scan3A_36, %scan3A_37 : i32
    %scan3A_39 = arith.constant 1 : i32
    scf.for %scan3A_45 = %scan3A_36 to %scan3A_38 step %scan3A_39  : i32 {
      %mul3A_46 = arith.constant 2 : i32
      %mul3A_47 = arith.muli %scan3A_45, %mul3A_46 : i32
      %add3A_48 = arith.constant 0 : i32
      %add3A_49 = arith.addi %add3A_48, %mul3A_47 : i32
      %dma_wait3A_50 = arith.constant 0 : i32
      %dma_wait3A_51 = arith.constant 0 : i32
      %dma_wait3A_52 = tpu.memref_slice %arg2[%dma_wait3A_50, %dma_wait3A_51] : memref<10240x128xf32, #tpu.memory_space<hbm>> -> memref<10240x128xf32, #tpu.memory_space<hbm>>
      tpu.wait_indirect_dma semaphore(%arg13 : memref<!tpu.dma_semaphore, #tpu.memory_space<semaphore_mem>>) src(%dma_wait3A_52 : memref<10240x128xf32, #tpu.memory_space<hbm>>) dst(%arg12 : memref<80x128xf32, #tpu.memory_space<vmem>>)
      "tpu.region"() ({
        %run_scoped3A = tpu.sem_alloc : memref<!tpu.dma_semaphore, #tpu.memory_space<semaphore_mem>>
        %dma_start3A_71 = arith.constant 0 : i32
        %dma_start3A_72 = arith.constant 0 : i32
        %dma_start3A_73 = tpu.memref_slice %arg9[%dma_start3A_71, %dma_start3A_72] : memref<10240x128xf32, #tpu.memory_space<vmem_shared>> -> memref<10240x128xf32, #tpu.memory_space<vmem_shared>>
        tpu.enqueue_indirect_dma source(%arg12 : memref<80x128xf32, #tpu.memory_space<vmem>>) target(%dma_start3A_73 : memref<10240x128xf32, #tpu.memory_space<vmem_shared>>) offsets(%arg11 : memref<80xi32, #tpu.memory_space<vmem>>) semaphore(%run_scoped3A : memref<!tpu.dma_semaphore, #tpu.memory_space<semaphore_mem>>) {add = true}
        %dma_wait3A_74 = arith.constant 0 : i32
        %dma_wait3A_75 = arith.constant 0 : i32
        %dma_wait3A_76 = tpu.memref_slice %arg9[%dma_wait3A_74, %dma_wait3A_75] : memref<10240x128xf32, #tpu.memory_space<vmem_shared>> -> memref<10240x128xf32, #tpu.memory_space<vmem_shared>>
        tpu.wait_indirect_dma semaphore(%run_scoped3A : memref<!tpu.dma_semaphore, #tpu.memory_space<semaphore_mem>>) src(%arg12 : memref<80x128xf32, #tpu.memory_space<vmem>>) dst(%dma_wait3A_76 : memref<10240x128xf32, #tpu.memory_space<vmem_shared>>)
        tpu.yield
      }) : () -> ()
      %add3A_53 = arith.constant 2 : i32
      %add3A_54 = arith.addi %add3A_49, %add3A_53 : i32
      %mul3A_55 = arith.constant 10000 : i32
      %mul3A_56 = arith.muli %add3A, %mul3A_55 : i32
      %mul3A_57 = arith.constant 80 : i32
      %mul3A_58 = arith.muli %add3A_54, %mul3A_57 : i32
      %add3A_59 = arith.addi %mul3A_56, %mul3A_58 : i32
      %multiple_of3A_60 = tpu.assume_multiple %add3A_59, 8 : i32
      "tpu.region"() ({
        %run_scoped3A = tpu.sem_alloc : memref<!tpu.dma_semaphore, #tpu.memory_space<semaphore_mem>>
        %dma_start3A_71 = tpu.memref_slice %arg3[%multiple_of3A_60] : memref<320000xi32, #tpu.memory_space<hbm>> -> memref<80xi32, #tpu.memory_space<hbm>>
        %dma_start3A_72 = tpu.memref_slice %arg3[%multiple_of3A_60] : memref<320000xi32, #tpu.memory_space<hbm>> -> memref<80xi32, #tpu.memory_space<hbm>>
        tpu.enqueue_dma source(%dma_start3A_72 : memref<80xi32, #tpu.memory_space<hbm>>) target(%arg10 : memref<80xi32, #tpu.memory_space<vmem>>) target_semaphore(%run_scoped3A : memref<!tpu.dma_semaphore, #tpu.memory_space<semaphore_mem>>)
        %dma_wait3A_73 = tpu.memref_slice %arg3[%multiple_of3A_60] : memref<320000xi32, #tpu.memory_space<hbm>> -> memref<80xi32, #tpu.memory_space<hbm>>
        %dma_wait3A_74 = tpu.memref_slice %arg3[%multiple_of3A_60] : memref<320000xi32, #tpu.memory_space<hbm>> -> memref<80xi32, #tpu.memory_space<hbm>>
        tpu.wait_dma2 semaphore(%run_scoped3A : memref<!tpu.dma_semaphore, #tpu.memory_space<semaphore_mem>>) src(%dma_wait3A_74 : memref<80xi32, #tpu.memory_space<hbm>>) dst(%arg10 : memref<80xi32, #tpu.memory_space<vmem>>)
        tpu.yield
      }) : () -> ()
      "tpu.region"() ({
        %run_scoped3A = tpu.sem_alloc : memref<!tpu.dma_semaphore, #tpu.memory_space<semaphore_mem>>
        %dma_start3A_71 = tpu.memref_slice %arg4[%multiple_of3A_60] : memref<320000xi32, #tpu.memory_space<hbm>> -> memref<80xi32, #tpu.memory_space<hbm>>
        %dma_start3A_72 = tpu.memref_slice %arg4[%multiple_of3A_60] : memref<320000xi32, #tpu.memory_space<hbm>> -> memref<80xi32, #tpu.memory_space<hbm>>
        tpu.enqueue_dma source(%dma_start3A_72 : memref<80xi32, #tpu.memory_space<hbm>>) target(%arg11 : memref<80xi32, #tpu.memory_space<vmem>>) target_semaphore(%run_scoped3A : memref<!tpu.dma_semaphore, #tpu.memory_space<semaphore_mem>>)
        %dma_wait3A_73 = tpu.memref_slice %arg4[%multiple_of3A_60] : memref<320000xi32, #tpu.memory_space<hbm>> -> memref<80xi32, #tpu.memory_space<hbm>>
        %dma_wait3A_74 = tpu.memref_slice %arg4[%multiple_of3A_60] : memref<320000xi32, #tpu.memory_space<hbm>> -> memref<80xi32, #tpu.memory_space<hbm>>
        tpu.wait_dma2 semaphore(%run_scoped3A : memref<!tpu.dma_semaphore, #tpu.memory_space<semaphore_mem>>) src(%dma_wait3A_74 : memref<80xi32, #tpu.memory_space<hbm>>) dst(%arg11 : memref<80xi32, #tpu.memory_space<vmem>>)
        tpu.yield
      }) : () -> ()
      %dma_start3A_61 = arith.constant 0 : i32
      %dma_start3A_62 = arith.constant 0 : i32
      %dma_start3A_63 = tpu.memref_slice %arg2[%dma_start3A_61, %dma_start3A_62] : memref<10240x128xf32, #tpu.memory_space<hbm>> -> memref<10240x128xf32, #tpu.memory_space<hbm>>
      tpu.enqueue_indirect_dma source(%dma_start3A_63 : memref<10240x128xf32, #tpu.memory_space<hbm>>) target(%arg12 : memref<80x128xf32, #tpu.memory_space<vmem>>) offsets(%arg10 : memref<80xi32, #tpu.memory_space<vmem>>) semaphore(%arg13 : memref<!tpu.dma_semaphore, #tpu.memory_space<semaphore_mem>>)
      %dma_wait3A_64 = arith.constant 0 : i32
      %dma_wait3A_65 = arith.constant 0 : i32
      %dma_wait3A_66 = tpu.memref_slice %arg2[%dma_wait3A_64, %dma_wait3A_65] : memref<10240x128xf32, #tpu.memory_space<hbm>> -> memref<10240x128xf32, #tpu.memory_space<hbm>>
      tpu.wait_indirect_dma semaphore(%arg17 : memref<!tpu.dma_semaphore, #tpu.memory_space<semaphore_mem>>) src(%dma_wait3A_66 : memref<10240x128xf32, #tpu.memory_space<hbm>>) dst(%arg16 : memref<80x128xf32, #tpu.memory_space<vmem>>)
      "tpu.region"() ({
        %run_scoped3A = tpu.sem_alloc : memref<!tpu.dma_semaphore, #tpu.memory_space<semaphore_mem>>
        %dma_start3A_71 = arith.constant 0 : i32
        %dma_start3A_72 = arith.constant 0 : i32
        %dma_start3A_73 = tpu.memref_slice %arg9[%dma_start3A_71, %dma_start3A_72] : memref<10240x128xf32, #tpu.memory_space<vmem_shared>> -> memref<10240x128xf32, #tpu.memory_space<vmem_shared>>
        tpu.enqueue_indirect_dma source(%arg16 : memref<80x128xf32, #tpu.memory_space<vmem>>) target(%dma_start3A_73 : memref<10240x128xf32, #tpu.memory_space<vmem_shared>>) offsets(%arg15 : memref<80xi32, #tpu.memory_space<vmem>>) semaphore(%run_scoped3A : memref<!tpu.dma_semaphore, #tpu.memory_space<semaphore_mem>>) {add = true}
        %dma_wait3A_74 = arith.constant 0 : i32
        %dma_wait3A_75 = arith.constant 0 : i32
        %dma_wait3A_76 = tpu.memref_slice %arg9[%dma_wait3A_74, %dma_wait3A_75] : memref<10240x128xf32, #tpu.memory_space<vmem_shared>> -> memref<10240x128xf32, #tpu.memory_space<vmem_shared>>
        tpu.wait_indirect_dma semaphore(%run_scoped3A : memref<!tpu.dma_semaphore, #tpu.memory_space<semaphore_mem>>) src(%arg16 : memref<80x128xf32, #tpu.memory_space<vmem>>) dst(%dma_wait3A_76 : memref<10240x128xf32, #tpu.memory_space<vmem_shared>>)
        tpu.yield
      }) : () -> ()
      %add3A_67 = arith.constant 3 : i32
      %add3A_68 = arith.addi %add3A_49, %add3A_67 : i32
      %lt3A = arith.constant 125 : i32
      %lt3A_69 = arith.cmpi slt, %add3A_68, %lt3A : i32
      %convert_element_type3A = arith.extui %lt3A_69 : i1 to i32
      %cond3A = arith.constant 0 : i32
      %cond3A_70 = arith.cmpi ne, %convert_element_type3A, %cond3A : i32
      scf.if %cond3A_70 {
        %add3A_71 = arith.constant 3 : i32
        %add3A_72 = arith.addi %add3A_49, %add3A_71 : i32
        %mul3A_73 = arith.constant 10000 : i32
        %mul3A_74 = arith.muli %add3A, %mul3A_73 : i32
        %mul3A_75 = arith.constant 80 : i32
        %mul3A_76 = arith.muli %add3A_72, %mul3A_75 : i32
        %add3A_77 = arith.addi %mul3A_74, %mul3A_76 : i32
        %multiple_of3A_78 = tpu.assume_multiple %add3A_77, 8 : i32
        "tpu.region"() ({
          %run_scoped3A = tpu.sem_alloc : memref<!tpu.dma_semaphore, #tpu.memory_space<semaphore_mem>>
          %dma_start3A_82 = tpu.memref_slice %arg3[%multiple_of3A_78] : memref<320000xi32, #tpu.memory_space<hbm>> -> memref<80xi32, #tpu.memory_space<hbm>>
          %dma_start3A_83 = tpu.memref_slice %arg3[%multiple_of3A_78] : memref<320000xi32, #tpu.memory_space<hbm>> -> memref<80xi32, #tpu.memory_space<hbm>>
          tpu.enqueue_dma source(%dma_start3A_83 : memref<80xi32, #tpu.memory_space<hbm>>) target(%arg14 : memref<80xi32, #tpu.memory_space<vmem>>) target_semaphore(%run_scoped3A : memref<!tpu.dma_semaphore, #tpu.memory_space<semaphore_mem>>)
          %dma_wait3A_84 = tpu.memref_slice %arg3[%multiple_of3A_78] : memref<320000xi32, #tpu.memory_space<hbm>> -> memref<80xi32, #tpu.memory_space<hbm>>
          %dma_wait3A_85 = tpu.memref_slice %arg3[%multiple_of3A_78] : memref<320000xi32, #tpu.memory_space<hbm>> -> memref<80xi32, #tpu.memory_space<hbm>>
          tpu.wait_dma2 semaphore(%run_scoped3A : memref<!tpu.dma_semaphore, #tpu.memory_space<semaphore_mem>>) src(%dma_wait3A_85 : memref<80xi32, #tpu.memory_space<hbm>>) dst(%arg14 : memref<80xi32, #tpu.memory_space<vmem>>)
          tpu.yield
        }) : () -> ()
        "tpu.region"() ({
          %run_scoped3A = tpu.sem_alloc : memref<!tpu.dma_semaphore, #tpu.memory_space<semaphore_mem>>
          %dma_start3A_82 = tpu.memref_slice %arg4[%multiple_of3A_78] : memref<320000xi32, #tpu.memory_space<hbm>> -> memref<80xi32, #tpu.memory_space<hbm>>
          %dma_start3A_83 = tpu.memref_slice %arg4[%multiple_of3A_78] : memref<320000xi32, #tpu.memory_space<hbm>> -> memref<80xi32, #tpu.memory_space<hbm>>
          tpu.enqueue_dma source(%dma_start3A_83 : memref<80xi32, #tpu.memory_space<hbm>>) target(%arg15 : memref<80xi32, #tpu.memory_space<vmem>>) target_semaphore(%run_scoped3A : memref<!tpu.dma_semaphore, #tpu.memory_space<semaphore_mem>>)
          %dma_wait3A_84 = tpu.memref_slice %arg4[%multiple_of3A_78] : memref<320000xi32, #tpu.memory_space<hbm>> -> memref<80xi32, #tpu.memory_space<hbm>>
          %dma_wait3A_85 = tpu.memref_slice %arg4[%multiple_of3A_78] : memref<320000xi32, #tpu.memory_space<hbm>> -> memref<80xi32, #tpu.memory_space<hbm>>
          tpu.wait_dma2 semaphore(%run_scoped3A : memref<!tpu.dma_semaphore, #tpu.memory_space<semaphore_mem>>) src(%dma_wait3A_85 : memref<80xi32, #tpu.memory_space<hbm>>) dst(%arg15 : memref<80xi32, #tpu.memory_space<vmem>>)
          tpu.yield
        }) : () -> ()
        %dma_start3A_79 = arith.constant 0 : i32
        %dma_start3A_80 = arith.constant 0 : i32
        %dma_start3A_81 = tpu.memref_slice %arg2[%dma_start3A_79, %dma_start3A_80] : memref<10240x128xf32, #tpu.memory_space<hbm>> -> memref<10240x128xf32, #tpu.memory_space<hbm>>
        tpu.enqueue_indirect_dma source(%dma_start3A_81 : memref<10240x128xf32, #tpu.memory_space<hbm>>) target(%arg16 : memref<80x128xf32, #tpu.memory_space<vmem>>) offsets(%arg14 : memref<80xi32, #tpu.memory_space<vmem>>) semaphore(%arg17 : memref<!tpu.dma_semaphore, #tpu.memory_space<semaphore_mem>>)
      } else {
      }
    }
    %scan3A_40 = arith.constant 62 : i32
    %dma_wait3A_41 = arith.constant 0 : i32
    %dma_wait3A_42 = arith.constant 0 : i32
    %dma_wait3A_43 = tpu.memref_slice %arg2[%dma_wait3A_41, %dma_wait3A_42] : memref<10240x128xf32, #tpu.memory_space<hbm>> -> memref<10240x128xf32, #tpu.memory_space<hbm>>
    tpu.wait_indirect_dma semaphore(%arg13 : memref<!tpu.dma_semaphore, #tpu.memory_space<semaphore_mem>>) src(%dma_wait3A_43 : memref<10240x128xf32, #tpu.memory_space<hbm>>) dst(%arg12 : memref<80x128xf32, #tpu.memory_space<vmem>>)
    "tpu.region"() ({
      %run_scoped3A = tpu.sem_alloc : memref<!tpu.dma_semaphore, #tpu.memory_space<semaphore_mem>>
      %dma_start3A_45 = arith.constant 0 : i32
      %dma_start3A_46 = arith.constant 0 : i32
      %dma_start3A_47 = tpu.memref_slice %arg9[%dma_start3A_45, %dma_start3A_46] : memref<10240x128xf32, #tpu.memory_space<vmem_shared>> -> memref<10240x128xf32, #tpu.memory_space<vmem_shared>>
      tpu.enqueue_indirect_dma source(%arg12 : memref<80x128xf32, #tpu.memory_space<vmem>>) target(%dma_start3A_47 : memref<10240x128xf32, #tpu.memory_space<vmem_shared>>) offsets(%arg11 : memref<80xi32, #tpu.memory_space<vmem>>) semaphore(%run_scoped3A : memref<!tpu.dma_semaphore, #tpu.memory_space<semaphore_mem>>) {add = true}
      %dma_wait3A_48 = arith.constant 0 : i32
      %dma_wait3A_49 = arith.constant 0 : i32
      %dma_wait3A_50 = tpu.memref_slice %arg9[%dma_wait3A_48, %dma_wait3A_49] : memref<10240x128xf32, #tpu.memory_space<vmem_shared>> -> memref<10240x128xf32, #tpu.memory_space<vmem_shared>>
      tpu.wait_indirect_dma semaphore(%run_scoped3A : memref<!tpu.dma_semaphore, #tpu.memory_space<semaphore_mem>>) src(%arg12 : memref<80x128xf32, #tpu.memory_space<vmem>>) dst(%dma_wait3A_50 : memref<10240x128xf32, #tpu.memory_space<vmem_shared>>)
      tpu.yield
    }) : () -> ()
    %barrier3A_44 = arith.constant 0 : index
    tpu.barrier barrier_id(%barrier3A_44)
    "tpu.region"() ({
      %run_scoped3A = tpu.sem_alloc : memref<!tpu.dma_semaphore, #tpu.memory_space<semaphore_mem>>
      %dma_start3A_45 = arith.constant 0 : i32
      %dma_start3A_46 = tpu.memref_slice %arg7[%arg0, %mul3A_2, %dma_start3A_45] : memref<2x10240x128xf32, #tpu.memory_space<hbm>> -> memref<1x640x128xf32, #tpu.memory_space<hbm>>
      %dma_start3A_47 = tpu.memref_squeeze %dma_start3A_46 : memref<1x640x128xf32, #tpu.memory_space<hbm>> -> memref<640x128xf32, #tpu.memory_space<hbm>>
      %dma_start3A_48 = arith.constant 0 : i32
      %dma_start3A_49 = tpu.memref_slice %arg9[%mul3A_2, %dma_start3A_48] : memref<10240x128xf32, #tpu.memory_space<vmem_shared>> -> memref<640x128xf32, #tpu.memory_space<vmem_shared>>
      tpu.enqueue_dma source(%dma_start3A_49 : memref<640x128xf32, #tpu.memory_space<vmem_shared>>) target(%dma_start3A_47 : memref<640x128xf32, #tpu.memory_space<hbm>>) target_semaphore(%run_scoped3A : memref<!tpu.dma_semaphore, #tpu.memory_space<semaphore_mem>>)
      %dma_wait3A_50 = arith.constant 0 : i32
      %dma_wait3A_51 = tpu.memref_slice %arg7[%arg0, %mul3A_2, %dma_wait3A_50] : memref<2x10240x128xf32, #tpu.memory_space<hbm>> -> memref<1x640x128xf32, #tpu.memory_space<hbm>>
      %dma_wait3A_52 = tpu.memref_squeeze %dma_wait3A_51 : memref<1x640x128xf32, #tpu.memory_space<hbm>> -> memref<640x128xf32, #tpu.memory_space<hbm>>
      %dma_wait3A_53 = arith.constant 0 : i32
      %dma_wait3A_54 = tpu.memref_slice %arg9[%mul3A_2, %dma_wait3A_53] : memref<10240x128xf32, #tpu.memory_space<vmem_shared>> -> memref<640x128xf32, #tpu.memory_space<vmem_shared>>
      tpu.wait_dma2 semaphore(%run_scoped3A : memref<!tpu.dma_semaphore, #tpu.memory_space<semaphore_mem>>) src(%dma_wait3A_54 : memref<640x128xf32, #tpu.memory_space<vmem_shared>>) dst(%dma_wait3A_52 : memref<640x128xf32, #tpu.memory_space<hbm>>)
      tpu.yield
    }) : () -> ()
    return
  }
}

#map = affine_map<(d0, d1) -> (0, 0)>
#map1 = affine_map<(d0, d1) -> (0)>
#map2 = affine_map<(d0, d1) -> (0, 0, 0)>
module attributes {stable_mosaic.version = 14 : i64} {
  func.func @body(%arg0: i32, %arg1: i32, %arg2: memref<10240x128xf32, #tpu.memory_space<hbm>>, %arg3: memref<320000xi32, #tpu.memory_space<hbm>>, %arg4: memref<320000xi32, #tpu.memory_space<hbm>>, %arg5: memref<640x128xf32, #tpu.memory_space<hbm>>, %arg6: memref<2x10240x128xf32, #tpu.memory_space<hbm>>, %arg7: memref<10240x128xf32, #tpu.memory_space<vmem_shared>>, %arg8: memref<80xi32, #tpu.memory_space<vmem>>, %arg9: memref<80xi32, #tpu.memory_space<vmem>>, %arg10: memref<80x128xf32, #tpu.memory_space<vmem>>, %arg11: memref<!tpu.dma_semaphore, #tpu.memory_space<semaphore_mem>>, %arg12: memref<80xi32, #tpu.memory_space<vmem>>, %arg13: memref<80xi32, #tpu.memory_space<vmem>>, %arg14: memref<80x128xf32, #tpu.memory_space<vmem>>, %arg15: memref<!tpu.dma_semaphore, #tpu.memory_space<semaphore_mem>>) attributes {dimension_semantics = [#tpu.dimension_semantics<core_parallel>, #tpu.dimension_semantics<subcore_parallel>], iteration_bounds = array<i64: 2, 16>, scalar_prefetch = 0 : i64, scratch_operands = 9 : i64, tpu.core_type = #tpu.core_type<sc_vector_subcore>, window_params = [{transform_indices = #map}, {transform_indices = #map1}, {transform_indices = #map1}, {transform_indices = #map}, {transform_indices = #map2}]} {
    %mul3A = arith.constant 16 : i32
    %mul3A_0 = arith.muli %arg0, %mul3A : i32
    %add3A = arith.addi %mul3A_0, %arg1 : i32
    %mul3A_1 = arith.constant 640 : i32
    %mul3A_2 = arith.muli %arg1, %mul3A_1 : i32
    "tpu.region"() ({
      %run_scoped3A = tpu.sem_alloc : memref<!tpu.dma_semaphore, #tpu.memory_space<semaphore_mem>>
      %dma_start3A_24 = arith.constant 0 : i32
      %dma_start3A_25 = tpu.memref_slice %arg7[%mul3A_2, %dma_start3A_24] : memref<10240x128xf32, #tpu.memory_space<vmem_shared>> -> memref<640x128xf32, #tpu.memory_space<vmem_shared>>
      tpu.enqueue_dma source(%arg5 : memref<640x128xf32, #tpu.memory_space<hbm>>) target(%dma_start3A_25 : memref<640x128xf32, #tpu.memory_space<vmem_shared>>) target_semaphore(%run_scoped3A : memref<!tpu.dma_semaphore, #tpu.memory_space<semaphore_mem>>)
      %dma_wait3A_26 = arith.constant 0 : i32
      %dma_wait3A_27 = tpu.memref_slice %arg7[%mul3A_2, %dma_wait3A_26] : memref<10240x128xf32, #tpu.memory_space<vmem_shared>> -> memref<640x128xf32, #tpu.memory_space<vmem_shared>>
      tpu.wait_dma2 semaphore(%run_scoped3A : memref<!tpu.dma_semaphore, #tpu.memory_space<semaphore_mem>>) src(%arg5 : memref<640x128xf32, #tpu.memory_space<hbm>>) dst(%dma_wait3A_27 : memref<640x128xf32, #tpu.memory_space<vmem_shared>>)
      tpu.yield
    }) : () -> ()
    %barrier3A = arith.constant 0 : index
    tpu.barrier barrier_id(%barrier3A)
    %mul3A_3 = arith.constant 10000 : i32
    %mul3A_4 = arith.muli %add3A, %mul3A_3 : i32
    %add3A_5 = arith.constant 0 : i32
    %add3A_6 = arith.addi %mul3A_4, %add3A_5 : i32
    %multiple_of3A = tpu.assume_multiple %add3A_6, 8 : i32
    "tpu.region"() ({
      %run_scoped3A = tpu.sem_alloc : memref<!tpu.dma_semaphore, #tpu.memory_space<semaphore_mem>>
      %dma_start3A_24 = tpu.memref_slice %arg3[%multiple_of3A] : memref<320000xi32, #tpu.memory_space<hbm>> -> memref<80xi32, #tpu.memory_space<hbm>>
      %dma_start3A_25 = tpu.memref_slice %arg3[%multiple_of3A] : memref<320000xi32, #tpu.memory_space<hbm>> -> memref<80xi32, #tpu.memory_space<hbm>>
      tpu.enqueue_dma source(%dma_start3A_25 : memref<80xi32, #tpu.memory_space<hbm>>) target(%arg8 : memref<80xi32, #tpu.memory_space<vmem>>) target_semaphore(%run_scoped3A : memref<!tpu.dma_semaphore, #tpu.memory_space<semaphore_mem>>)
      %dma_wait3A_26 = tpu.memref_slice %arg3[%multiple_of3A] : memref<320000xi32, #tpu.memory_space<hbm>> -> memref<80xi32, #tpu.memory_space<hbm>>
      %dma_wait3A_27 = tpu.memref_slice %arg3[%multiple_of3A] : memref<320000xi32, #tpu.memory_space<hbm>> -> memref<80xi32, #tpu.memory_space<hbm>>
      tpu.wait_dma2 semaphore(%run_scoped3A : memref<!tpu.dma_semaphore, #tpu.memory_space<semaphore_mem>>) src(%dma_wait3A_27 : memref<80xi32, #tpu.memory_space<hbm>>) dst(%arg8 : memref<80xi32, #tpu.memory_space<vmem>>)
      tpu.yield
    }) : () -> ()
    "tpu.region"() ({
      %run_scoped3A = tpu.sem_alloc : memref<!tpu.dma_semaphore, #tpu.memory_space<semaphore_mem>>
      %dma_start3A_24 = tpu.memref_slice %arg4[%multiple_of3A] : memref<320000xi32, #tpu.memory_space<hbm>> -> memref<80xi32, #tpu.memory_space<hbm>>
      %dma_start3A_25 = tpu.memref_slice %arg4[%multiple_of3A] : memref<320000xi32, #tpu.memory_space<hbm>> -> memref<80xi32, #tpu.memory_space<hbm>>
      tpu.enqueue_dma source(%dma_start3A_25 : memref<80xi32, #tpu.memory_space<hbm>>) target(%arg9 : memref<80xi32, #tpu.memory_space<vmem>>) target_semaphore(%run_scoped3A : memref<!tpu.dma_semaphore, #tpu.memory_space<semaphore_mem>>)
      %dma_wait3A_26 = tpu.memref_slice %arg4[%multiple_of3A] : memref<320000xi32, #tpu.memory_space<hbm>> -> memref<80xi32, #tpu.memory_space<hbm>>
      %dma_wait3A_27 = tpu.memref_slice %arg4[%multiple_of3A] : memref<320000xi32, #tpu.memory_space<hbm>> -> memref<80xi32, #tpu.memory_space<hbm>>
      tpu.wait_dma2 semaphore(%run_scoped3A : memref<!tpu.dma_semaphore, #tpu.memory_space<semaphore_mem>>) src(%dma_wait3A_27 : memref<80xi32, #tpu.memory_space<hbm>>) dst(%arg9 : memref<80xi32, #tpu.memory_space<vmem>>)
      tpu.yield
    }) : () -> ()
    %dma_start3A = arith.constant 0 : i32
    %dma_start3A_7 = arith.constant 0 : i32
    %dma_start3A_8 = tpu.memref_slice %arg2[%dma_start3A, %dma_start3A_7] : memref<10240x128xf32, #tpu.memory_space<hbm>> -> memref<10240x128xf32, #tpu.memory_space<hbm>>
    tpu.enqueue_indirect_dma source(%dma_start3A_8 : memref<10240x128xf32, #tpu.memory_space<hbm>>) target(%arg10 : memref<80x128xf32, #tpu.memory_space<vmem>>) offsets(%arg8 : memref<80xi32, #tpu.memory_space<vmem>>) semaphore(%arg11 : memref<!tpu.dma_semaphore, #tpu.memory_space<semaphore_mem>>)
    %mul3A_9 = arith.constant 10000 : i32
    %mul3A_10 = arith.muli %add3A, %mul3A_9 : i32
    %add3A_11 = arith.constant 80 : i32
    %add3A_12 = arith.addi %mul3A_10, %add3A_11 : i32
    %multiple_of3A_13 = tpu.assume_multiple %add3A_12, 8 : i32
    "tpu.region"() ({
      %run_scoped3A = tpu.sem_alloc : memref<!tpu.dma_semaphore, #tpu.memory_space<semaphore_mem>>
      %dma_start3A_24 = tpu.memref_slice %arg3[%multiple_of3A_13] : memref<320000xi32, #tpu.memory_space<hbm>> -> memref<80xi32, #tpu.memory_space<hbm>>
      %dma_start3A_25 = tpu.memref_slice %arg3[%multiple_of3A_13] : memref<320000xi32, #tpu.memory_space<hbm>> -> memref<80xi32, #tpu.memory_space<hbm>>
      tpu.enqueue_dma source(%dma_start3A_25 : memref<80xi32, #tpu.memory_space<hbm>>) target(%arg12 : memref<80xi32, #tpu.memory_space<vmem>>) target_semaphore(%run_scoped3A : memref<!tpu.dma_semaphore, #tpu.memory_space<semaphore_mem>>)
      %dma_wait3A_26 = tpu.memref_slice %arg3[%multiple_of3A_13] : memref<320000xi32, #tpu.memory_space<hbm>> -> memref<80xi32, #tpu.memory_space<hbm>>
      %dma_wait3A_27 = tpu.memref_slice %arg3[%multiple_of3A_13] : memref<320000xi32, #tpu.memory_space<hbm>> -> memref<80xi32, #tpu.memory_space<hbm>>
      tpu.wait_dma2 semaphore(%run_scoped3A : memref<!tpu.dma_semaphore, #tpu.memory_space<semaphore_mem>>) src(%dma_wait3A_27 : memref<80xi32, #tpu.memory_space<hbm>>) dst(%arg12 : memref<80xi32, #tpu.memory_space<vmem>>)
      tpu.yield
    }) : () -> ()
    "tpu.region"() ({
      %run_scoped3A = tpu.sem_alloc : memref<!tpu.dma_semaphore, #tpu.memory_space<semaphore_mem>>
      %dma_start3A_24 = tpu.memref_slice %arg4[%multiple_of3A_13] : memref<320000xi32, #tpu.memory_space<hbm>> -> memref<80xi32, #tpu.memory_space<hbm>>
      %dma_start3A_25 = tpu.memref_slice %arg4[%multiple_of3A_13] : memref<320000xi32, #tpu.memory_space<hbm>> -> memref<80xi32, #tpu.memory_space<hbm>>
      tpu.enqueue_dma source(%dma_start3A_25 : memref<80xi32, #tpu.memory_space<hbm>>) target(%arg13 : memref<80xi32, #tpu.memory_space<vmem>>) target_semaphore(%run_scoped3A : memref<!tpu.dma_semaphore, #tpu.memory_space<semaphore_mem>>)
      %dma_wait3A_26 = tpu.memref_slice %arg4[%multiple_of3A_13] : memref<320000xi32, #tpu.memory_space<hbm>> -> memref<80xi32, #tpu.memory_space<hbm>>
      %dma_wait3A_27 = tpu.memref_slice %arg4[%multiple_of3A_13] : memref<320000xi32, #tpu.memory_space<hbm>> -> memref<80xi32, #tpu.memory_space<hbm>>
      tpu.wait_dma2 semaphore(%run_scoped3A : memref<!tpu.dma_semaphore, #tpu.memory_space<semaphore_mem>>) src(%dma_wait3A_27 : memref<80xi32, #tpu.memory_space<hbm>>) dst(%arg13 : memref<80xi32, #tpu.memory_space<vmem>>)
      tpu.yield
    }) : () -> ()
    %dma_start3A_14 = arith.constant 0 : i32
    %dma_start3A_15 = arith.constant 0 : i32
    %dma_start3A_16 = tpu.memref_slice %arg2[%dma_start3A_14, %dma_start3A_15] : memref<10240x128xf32, #tpu.memory_space<hbm>> -> memref<10240x128xf32, #tpu.memory_space<hbm>>
    tpu.enqueue_indirect_dma source(%dma_start3A_16 : memref<10240x128xf32, #tpu.memory_space<hbm>>) target(%arg14 : memref<80x128xf32, #tpu.memory_space<vmem>>) offsets(%arg12 : memref<80xi32, #tpu.memory_space<vmem>>) semaphore(%arg15 : memref<!tpu.dma_semaphore, #tpu.memory_space<semaphore_mem>>)
    %scan3A = arith.constant 0 : i32
    %scan3A_17 = arith.constant 62 : i32
    %scan3A_18 = arith.addi %scan3A, %scan3A_17 : i32
    %scan3A_19 = arith.constant 1 : i32
    scf.for %scan3A_24 = %scan3A to %scan3A_18 step %scan3A_19  : i32 {
      %mul3A_25 = arith.constant 2 : i32
      %mul3A_26 = arith.muli %scan3A_24, %mul3A_25 : i32
      %add3A_27 = arith.constant 0 : i32
      %add3A_28 = arith.addi %add3A_27, %mul3A_26 : i32
      %dma_wait3A_29 = arith.constant 0 : i32
      %dma_wait3A_30 = arith.constant 0 : i32
      %dma_wait3A_31 = tpu.memref_slice %arg2[%dma_wait3A_29, %dma_wait3A_30] : memref<10240x128xf32, #tpu.memory_space<hbm>> -> memref<10240x128xf32, #tpu.memory_space<hbm>>
      tpu.wait_indirect_dma semaphore(%arg11 : memref<!tpu.dma_semaphore, #tpu.memory_space<semaphore_mem>>) src(%dma_wait3A_31 : memref<10240x128xf32, #tpu.memory_space<hbm>>) dst(%arg10 : memref<80x128xf32, #tpu.memory_space<vmem>>)
      "tpu.region"() ({
        %run_scoped3A = tpu.sem_alloc : memref<!tpu.dma_semaphore, #tpu.memory_space<semaphore_mem>>
        %dma_start3A_50 = arith.constant 0 : i32
        %dma_start3A_51 = arith.constant 0 : i32
        %dma_start3A_52 = tpu.memref_slice %arg7[%dma_start3A_50, %dma_start3A_51] : memref<10240x128xf32, #tpu.memory_space<vmem_shared>> -> memref<10240x128xf32, #tpu.memory_space<vmem_shared>>
        tpu.enqueue_indirect_dma source(%arg10 : memref<80x128xf32, #tpu.memory_space<vmem>>) target(%dma_start3A_52 : memref<10240x128xf32, #tpu.memory_space<vmem_shared>>) offsets(%arg9 : memref<80xi32, #tpu.memory_space<vmem>>) semaphore(%run_scoped3A : memref<!tpu.dma_semaphore, #tpu.memory_space<semaphore_mem>>) {add = true}
        %dma_wait3A_53 = arith.constant 0 : i32
        %dma_wait3A_54 = arith.constant 0 : i32
        %dma_wait3A_55 = tpu.memref_slice %arg7[%dma_wait3A_53, %dma_wait3A_54] : memref<10240x128xf32, #tpu.memory_space<vmem_shared>> -> memref<10240x128xf32, #tpu.memory_space<vmem_shared>>
        tpu.wait_indirect_dma semaphore(%run_scoped3A : memref<!tpu.dma_semaphore, #tpu.memory_space<semaphore_mem>>) src(%arg10 : memref<80x128xf32, #tpu.memory_space<vmem>>) dst(%dma_wait3A_55 : memref<10240x128xf32, #tpu.memory_space<vmem_shared>>)
        tpu.yield
      }) : () -> ()
      %add3A_32 = arith.constant 2 : i32
      %add3A_33 = arith.addi %add3A_28, %add3A_32 : i32
      %mul3A_34 = arith.constant 10000 : i32
      %mul3A_35 = arith.muli %add3A, %mul3A_34 : i32
      %mul3A_36 = arith.constant 80 : i32
      %mul3A_37 = arith.muli %add3A_33, %mul3A_36 : i32
      %add3A_38 = arith.addi %mul3A_35, %mul3A_37 : i32
      %multiple_of3A_39 = tpu.assume_multiple %add3A_38, 8 : i32
      "tpu.region"() ({
        %run_scoped3A = tpu.sem_alloc : memref<!tpu.dma_semaphore, #tpu.memory_space<semaphore_mem>>
        %dma_start3A_50 = tpu.memref_slice %arg3[%multiple_of3A_39] : memref<320000xi32, #tpu.memory_space<hbm>> -> memref<80xi32, #tpu.memory_space<hbm>>
        %dma_start3A_51 = tpu.memref_slice %arg3[%multiple_of3A_39] : memref<320000xi32, #tpu.memory_space<hbm>> -> memref<80xi32, #tpu.memory_space<hbm>>
        tpu.enqueue_dma source(%dma_start3A_51 : memref<80xi32, #tpu.memory_space<hbm>>) target(%arg8 : memref<80xi32, #tpu.memory_space<vmem>>) target_semaphore(%run_scoped3A : memref<!tpu.dma_semaphore, #tpu.memory_space<semaphore_mem>>)
        %dma_wait3A_52 = tpu.memref_slice %arg3[%multiple_of3A_39] : memref<320000xi32, #tpu.memory_space<hbm>> -> memref<80xi32, #tpu.memory_space<hbm>>
        %dma_wait3A_53 = tpu.memref_slice %arg3[%multiple_of3A_39] : memref<320000xi32, #tpu.memory_space<hbm>> -> memref<80xi32, #tpu.memory_space<hbm>>
        tpu.wait_dma2 semaphore(%run_scoped3A : memref<!tpu.dma_semaphore, #tpu.memory_space<semaphore_mem>>) src(%dma_wait3A_53 : memref<80xi32, #tpu.memory_space<hbm>>) dst(%arg8 : memref<80xi32, #tpu.memory_space<vmem>>)
        tpu.yield
      }) : () -> ()
      "tpu.region"() ({
        %run_scoped3A = tpu.sem_alloc : memref<!tpu.dma_semaphore, #tpu.memory_space<semaphore_mem>>
        %dma_start3A_50 = tpu.memref_slice %arg4[%multiple_of3A_39] : memref<320000xi32, #tpu.memory_space<hbm>> -> memref<80xi32, #tpu.memory_space<hbm>>
        %dma_start3A_51 = tpu.memref_slice %arg4[%multiple_of3A_39] : memref<320000xi32, #tpu.memory_space<hbm>> -> memref<80xi32, #tpu.memory_space<hbm>>
        tpu.enqueue_dma source(%dma_start3A_51 : memref<80xi32, #tpu.memory_space<hbm>>) target(%arg9 : memref<80xi32, #tpu.memory_space<vmem>>) target_semaphore(%run_scoped3A : memref<!tpu.dma_semaphore, #tpu.memory_space<semaphore_mem>>)
        %dma_wait3A_52 = tpu.memref_slice %arg4[%multiple_of3A_39] : memref<320000xi32, #tpu.memory_space<hbm>> -> memref<80xi32, #tpu.memory_space<hbm>>
        %dma_wait3A_53 = tpu.memref_slice %arg4[%multiple_of3A_39] : memref<320000xi32, #tpu.memory_space<hbm>> -> memref<80xi32, #tpu.memory_space<hbm>>
        tpu.wait_dma2 semaphore(%run_scoped3A : memref<!tpu.dma_semaphore, #tpu.memory_space<semaphore_mem>>) src(%dma_wait3A_53 : memref<80xi32, #tpu.memory_space<hbm>>) dst(%arg9 : memref<80xi32, #tpu.memory_space<vmem>>)
        tpu.yield
      }) : () -> ()
      %dma_start3A_40 = arith.constant 0 : i32
      %dma_start3A_41 = arith.constant 0 : i32
      %dma_start3A_42 = tpu.memref_slice %arg2[%dma_start3A_40, %dma_start3A_41] : memref<10240x128xf32, #tpu.memory_space<hbm>> -> memref<10240x128xf32, #tpu.memory_space<hbm>>
      tpu.enqueue_indirect_dma source(%dma_start3A_42 : memref<10240x128xf32, #tpu.memory_space<hbm>>) target(%arg10 : memref<80x128xf32, #tpu.memory_space<vmem>>) offsets(%arg8 : memref<80xi32, #tpu.memory_space<vmem>>) semaphore(%arg11 : memref<!tpu.dma_semaphore, #tpu.memory_space<semaphore_mem>>)
      %dma_wait3A_43 = arith.constant 0 : i32
      %dma_wait3A_44 = arith.constant 0 : i32
      %dma_wait3A_45 = tpu.memref_slice %arg2[%dma_wait3A_43, %dma_wait3A_44] : memref<10240x128xf32, #tpu.memory_space<hbm>> -> memref<10240x128xf32, #tpu.memory_space<hbm>>
      tpu.wait_indirect_dma semaphore(%arg15 : memref<!tpu.dma_semaphore, #tpu.memory_space<semaphore_mem>>) src(%dma_wait3A_45 : memref<10240x128xf32, #tpu.memory_space<hbm>>) dst(%arg14 : memref<80x128xf32, #tpu.memory_space<vmem>>)
      "tpu.region"() ({
        %run_scoped3A = tpu.sem_alloc : memref<!tpu.dma_semaphore, #tpu.memory_space<semaphore_mem>>
        %dma_start3A_50 = arith.constant 0 : i32
        %dma_start3A_51 = arith.constant 0 : i32
        %dma_start3A_52 = tpu.memref_slice %arg7[%dma_start3A_50, %dma_start3A_51] : memref<10240x128xf32, #tpu.memory_space<vmem_shared>> -> memref<10240x128xf32, #tpu.memory_space<vmem_shared>>
        tpu.enqueue_indirect_dma source(%arg14 : memref<80x128xf32, #tpu.memory_space<vmem>>) target(%dma_start3A_52 : memref<10240x128xf32, #tpu.memory_space<vmem_shared>>) offsets(%arg13 : memref<80xi32, #tpu.memory_space<vmem>>) semaphore(%run_scoped3A : memref<!tpu.dma_semaphore, #tpu.memory_space<semaphore_mem>>) {add = true}
        %dma_wait3A_53 = arith.constant 0 : i32
        %dma_wait3A_54 = arith.constant 0 : i32
        %dma_wait3A_55 = tpu.memref_slice %arg7[%dma_wait3A_53, %dma_wait3A_54] : memref<10240x128xf32, #tpu.memory_space<vmem_shared>> -> memref<10240x128xf32, #tpu.memory_space<vmem_shared>>
        tpu.wait_indirect_dma semaphore(%run_scoped3A : memref<!tpu.dma_semaphore, #tpu.memory_space<semaphore_mem>>) src(%arg14 : memref<80x128xf32, #tpu.memory_space<vmem>>) dst(%dma_wait3A_55 : memref<10240x128xf32, #tpu.memory_space<vmem_shared>>)
        tpu.yield
      }) : () -> ()
      %add3A_46 = arith.constant 3 : i32
      %add3A_47 = arith.addi %add3A_28, %add3A_46 : i32
      %lt3A = arith.constant 125 : i32
      %lt3A_48 = arith.cmpi slt, %add3A_47, %lt3A : i32
      %convert_element_type3A = arith.extui %lt3A_48 : i1 to i32
      %cond3A = arith.constant 0 : i32
      %cond3A_49 = arith.cmpi ne, %convert_element_type3A, %cond3A : i32
      scf.if %cond3A_49 {
        %add3A_50 = arith.constant 3 : i32
        %add3A_51 = arith.addi %add3A_28, %add3A_50 : i32
        %mul3A_52 = arith.constant 10000 : i32
        %mul3A_53 = arith.muli %add3A, %mul3A_52 : i32
        %mul3A_54 = arith.constant 80 : i32
        %mul3A_55 = arith.muli %add3A_51, %mul3A_54 : i32
        %add3A_56 = arith.addi %mul3A_53, %mul3A_55 : i32
        %multiple_of3A_57 = tpu.assume_multiple %add3A_56, 8 : i32
        "tpu.region"() ({
          %run_scoped3A = tpu.sem_alloc : memref<!tpu.dma_semaphore, #tpu.memory_space<semaphore_mem>>
          %dma_start3A_61 = tpu.memref_slice %arg3[%multiple_of3A_57] : memref<320000xi32, #tpu.memory_space<hbm>> -> memref<80xi32, #tpu.memory_space<hbm>>
          %dma_start3A_62 = tpu.memref_slice %arg3[%multiple_of3A_57] : memref<320000xi32, #tpu.memory_space<hbm>> -> memref<80xi32, #tpu.memory_space<hbm>>
          tpu.enqueue_dma source(%dma_start3A_62 : memref<80xi32, #tpu.memory_space<hbm>>) target(%arg12 : memref<80xi32, #tpu.memory_space<vmem>>) target_semaphore(%run_scoped3A : memref<!tpu.dma_semaphore, #tpu.memory_space<semaphore_mem>>)
          %dma_wait3A_63 = tpu.memref_slice %arg3[%multiple_of3A_57] : memref<320000xi32, #tpu.memory_space<hbm>> -> memref<80xi32, #tpu.memory_space<hbm>>
          %dma_wait3A_64 = tpu.memref_slice %arg3[%multiple_of3A_57] : memref<320000xi32, #tpu.memory_space<hbm>> -> memref<80xi32, #tpu.memory_space<hbm>>
          tpu.wait_dma2 semaphore(%run_scoped3A : memref<!tpu.dma_semaphore, #tpu.memory_space<semaphore_mem>>) src(%dma_wait3A_64 : memref<80xi32, #tpu.memory_space<hbm>>) dst(%arg12 : memref<80xi32, #tpu.memory_space<vmem>>)
          tpu.yield
        }) : () -> ()
        "tpu.region"() ({
          %run_scoped3A = tpu.sem_alloc : memref<!tpu.dma_semaphore, #tpu.memory_space<semaphore_mem>>
          %dma_start3A_61 = tpu.memref_slice %arg4[%multiple_of3A_57] : memref<320000xi32, #tpu.memory_space<hbm>> -> memref<80xi32, #tpu.memory_space<hbm>>
          %dma_start3A_62 = tpu.memref_slice %arg4[%multiple_of3A_57] : memref<320000xi32, #tpu.memory_space<hbm>> -> memref<80xi32, #tpu.memory_space<hbm>>
          tpu.enqueue_dma source(%dma_start3A_62 : memref<80xi32, #tpu.memory_space<hbm>>) target(%arg13 : memref<80xi32, #tpu.memory_space<vmem>>) target_semaphore(%run_scoped3A : memref<!tpu.dma_semaphore, #tpu.memory_space<semaphore_mem>>)
          %dma_wait3A_63 = tpu.memref_slice %arg4[%multiple_of3A_57] : memref<320000xi32, #tpu.memory_space<hbm>> -> memref<80xi32, #tpu.memory_space<hbm>>
          %dma_wait3A_64 = tpu.memref_slice %arg4[%multiple_of3A_57] : memref<320000xi32, #tpu.memory_space<hbm>> -> memref<80xi32, #tpu.memory_space<hbm>>
          tpu.wait_dma2 semaphore(%run_scoped3A : memref<!tpu.dma_semaphore, #tpu.memory_space<semaphore_mem>>) src(%dma_wait3A_64 : memref<80xi32, #tpu.memory_space<hbm>>) dst(%arg13 : memref<80xi32, #tpu.memory_space<vmem>>)
          tpu.yield
        }) : () -> ()
        %dma_start3A_58 = arith.constant 0 : i32
        %dma_start3A_59 = arith.constant 0 : i32
        %dma_start3A_60 = tpu.memref_slice %arg2[%dma_start3A_58, %dma_start3A_59] : memref<10240x128xf32, #tpu.memory_space<hbm>> -> memref<10240x128xf32, #tpu.memory_space<hbm>>
        tpu.enqueue_indirect_dma source(%dma_start3A_60 : memref<10240x128xf32, #tpu.memory_space<hbm>>) target(%arg14 : memref<80x128xf32, #tpu.memory_space<vmem>>) offsets(%arg12 : memref<80xi32, #tpu.memory_space<vmem>>) semaphore(%arg15 : memref<!tpu.dma_semaphore, #tpu.memory_space<semaphore_mem>>)
      } else {
      }
    }
    %scan3A_20 = arith.constant 62 : i32
    %dma_wait3A = arith.constant 0 : i32
    %dma_wait3A_21 = arith.constant 0 : i32
    %dma_wait3A_22 = tpu.memref_slice %arg2[%dma_wait3A, %dma_wait3A_21] : memref<10240x128xf32, #tpu.memory_space<hbm>> -> memref<10240x128xf32, #tpu.memory_space<hbm>>
    tpu.wait_indirect_dma semaphore(%arg11 : memref<!tpu.dma_semaphore, #tpu.memory_space<semaphore_mem>>) src(%dma_wait3A_22 : memref<10240x128xf32, #tpu.memory_space<hbm>>) dst(%arg10 : memref<80x128xf32, #tpu.memory_space<vmem>>)
    "tpu.region"() ({
      %run_scoped3A = tpu.sem_alloc : memref<!tpu.dma_semaphore, #tpu.memory_space<semaphore_mem>>
      %dma_start3A_24 = arith.constant 0 : i32
      %dma_start3A_25 = arith.constant 0 : i32
      %dma_start3A_26 = tpu.memref_slice %arg7[%dma_start3A_24, %dma_start3A_25] : memref<10240x128xf32, #tpu.memory_space<vmem_shared>> -> memref<10240x128xf32, #tpu.memory_space<vmem_shared>>
      tpu.enqueue_indirect_dma source(%arg10 : memref<80x128xf32, #tpu.memory_space<vmem>>) target(%dma_start3A_26 : memref<10240x128xf32, #tpu.memory_space<vmem_shared>>) offsets(%arg9 : memref<80xi32, #tpu.memory_space<vmem>>) semaphore(%run_scoped3A : memref<!tpu.dma_semaphore, #tpu.memory_space<semaphore_mem>>) {add = true}
      %dma_wait3A_27 = arith.constant 0 : i32
      %dma_wait3A_28 = arith.constant 0 : i32
      %dma_wait3A_29 = tpu.memref_slice %arg7[%dma_wait3A_27, %dma_wait3A_28] : memref<10240x128xf32, #tpu.memory_space<vmem_shared>> -> memref<10240x128xf32, #tpu.memory_space<vmem_shared>>
      tpu.wait_indirect_dma semaphore(%run_scoped3A : memref<!tpu.dma_semaphore, #tpu.memory_space<semaphore_mem>>) src(%arg10 : memref<80x128xf32, #tpu.memory_space<vmem>>) dst(%dma_wait3A_29 : memref<10240x128xf32, #tpu.memory_space<vmem_shared>>)
      tpu.yield
    }) : () -> ()
    %barrier3A_23 = arith.constant 0 : index
    tpu.barrier barrier_id(%barrier3A_23)
    "tpu.region"() ({
      %run_scoped3A = tpu.sem_alloc : memref<!tpu.dma_semaphore, #tpu.memory_space<semaphore_mem>>
      %dma_start3A_24 = arith.constant 0 : i32
      %dma_start3A_25 = tpu.memref_slice %arg6[%arg0, %mul3A_2, %dma_start3A_24] : memref<2x10240x128xf32, #tpu.memory_space<hbm>> -> memref<1x640x128xf32, #tpu.memory_space<hbm>>
      %dma_start3A_26 = tpu.memref_squeeze %dma_start3A_25 : memref<1x640x128xf32, #tpu.memory_space<hbm>> -> memref<640x128xf32, #tpu.memory_space<hbm>>
      %dma_start3A_27 = arith.constant 0 : i32
      %dma_start3A_28 = tpu.memref_slice %arg7[%mul3A_2, %dma_start3A_27] : memref<10240x128xf32, #tpu.memory_space<vmem_shared>> -> memref<640x128xf32, #tpu.memory_space<vmem_shared>>
      tpu.enqueue_dma source(%dma_start3A_28 : memref<640x128xf32, #tpu.memory_space<vmem_shared>>) target(%dma_start3A_26 : memref<640x128xf32, #tpu.memory_space<hbm>>) target_semaphore(%run_scoped3A : memref<!tpu.dma_semaphore, #tpu.memory_space<semaphore_mem>>)
      %dma_wait3A_29 = arith.constant 0 : i32
      %dma_wait3A_30 = tpu.memref_slice %arg6[%arg0, %mul3A_2, %dma_wait3A_29] : memref<2x10240x128xf32, #tpu.memory_space<hbm>> -> memref<1x640x128xf32, #tpu.memory_space<hbm>>
      %dma_wait3A_31 = tpu.memref_squeeze %dma_wait3A_30 : memref<1x640x128xf32, #tpu.memory_space<hbm>> -> memref<640x128xf32, #tpu.memory_space<hbm>>
      %dma_wait3A_32 = arith.constant 0 : i32
      %dma_wait3A_33 = tpu.memref_slice %arg7[%mul3A_2, %dma_wait3A_32] : memref<10240x128xf32, #tpu.memory_space<vmem_shared>> -> memref<640x128xf32, #tpu.memory_space<vmem_shared>>
      tpu.wait_dma2 semaphore(%run_scoped3A : memref<!tpu.dma_semaphore, #tpu.memory_space<semaphore_mem>>) src(%dma_wait3A_33 : memref<640x128xf32, #tpu.memory_space<vmem_shared>>) dst(%dma_wait3A_31 : memref<640x128xf32, #tpu.memory_space<hbm>>)
      tpu.yield
    }) : () -> ()
    return
  }
}

module attributes {stable_mosaic.version = 14 : i64} {
  func.func @_embed_body(%arg0: i32, %arg1: memref<1024x128xf32, #tpu.memory_space<vmem>>, %arg2: memref<1024x128xf32, #tpu.memory_space<vmem>>, %arg3: memref<128x128xf32, #tpu.memory_space<vmem>>, %arg4: memref<1x128xf32, #tpu.memory_space<vmem>>, %arg5: memref<1024x128xf32, #tpu.memory_space<vmem>>) attributes {dimension_semantics = [#tpu.dimension_semantics<arbitrary>], iteration_bounds = array<i64: 10>, scalar_prefetch = 0 : i64, scratch_operands = 0 : i64, tpu.core_type = #tpu.core_type<tc>, window_params = [{transform_indices = @transform_0, window_bounds = array<i64: 1024, 128>}, {transform_indices = @transform_1, window_bounds = array<i64: 1024, 128>}, {pipeline_mode = #tpu.pipeline_mode<synchronous>, transform_indices = @transform_2, window_bounds = array<i64: 128, 128>}, {pipeline_mode = #tpu.pipeline_mode<synchronous>, transform_indices = @transform_3, window_bounds = array<i64: 1, 128>}, {transform_indices = @transform_4, window_bounds = array<i64: 1024, 128>}]} {
    %get3A = arith.constant 0 : index
    %get3A_0 = arith.constant 0 : index
    %get3A_1 = vector.load %arg1[%get3A, %get3A_0] : memref<1024x128xf32, #tpu.memory_space<vmem>>, vector<1024x128xf32>
    %get3A_2 = arith.constant 0 : index
    %get3A_3 = arith.constant 0 : index
    %get3A_4 = vector.load %arg3[%get3A_2, %get3A_3] : memref<128x128xf32, #tpu.memory_space<vmem>>, vector<128x128xf32>
    %dot_general3A = arith.constant dense<0.000000e+00> : vector<1024x128xf32>
    %dot_general3A_5 = tpu.matmul %get3A_1, %get3A_4, %dot_general3A {dimension_numbers = #tpu.dot_dimension_numbers<[1], [1], [0], [0], [0, 0, 1, 0], [], []>, transpose_lhs_hint = false} : vector<1024x128xf32>, vector<128x128xf32>, vector<1024x128xf32> -> vector<1024x128xf32>
    %get3A_6 = arith.constant 0 : index
    %get3A_7 = arith.constant 0 : index
    %get3A_8 = vector.load %arg4[%get3A_6, %get3A_7] : memref<1x128xf32, #tpu.memory_space<vmem>>, vector<1x128xf32>
    %add3A = vector.broadcast %get3A_8 : vector<1x128xf32> to vector<1024x128xf32>
    %add3A_9 = arith.addf %dot_general3A_5, %add3A : vector<1024x128xf32>
    %get3A_10 = arith.constant 0 : index
    %get3A_11 = arith.constant 0 : index
    %get3A_12 = vector.load %arg2[%get3A_10, %get3A_11] : memref<1024x128xf32, #tpu.memory_space<vmem>>, vector<1024x128xf32>
    %ge3A = arith.constant 0.000000e+00 : f32
    %ge3A_13 = vector.broadcast %ge3A : f32 to vector<1024x128xf32>
    %ge3A_14 = arith.cmpf oge, %add3A_9, %ge3A_13 : vector<1024x128xf32>
    %mul3A = arith.constant 0.00999999977 : f32
    %mul3A_15 = vector.broadcast %mul3A : f32 to vector<1024x128xf32>
    %mul3A_16 = arith.mulf %mul3A_15, %add3A_9 : vector<1024x128xf32>
    %select_n3A = arith.select %ge3A_14, %add3A_9, %mul3A_16 : vector<1024x128xi1>, vector<1024x128xf32>
    %add3A_17 = arith.addf %get3A_12, %select_n3A : vector<1024x128xf32>
    %swap3A = arith.constant 0 : index
    %swap3A_18 = arith.constant 0 : index
    %swap3A_19 = vector.load %arg5[%swap3A, %swap3A_18] : memref<1024x128xf32, #tpu.memory_space<vmem>>, vector<1024x128xf32>
    tpu.vector_store %arg5[%swap3A, %swap3A_18], %add3A_17 {strides = array<i32>} : memref<1024x128xf32, #tpu.memory_space<vmem>>, vector<1024x128xf32>,
    return
  }
  func.func @transform_0(%arg0: i32) -> (i32, i32) {
    %c0_i32 = arith.constant 0 : i32
    %c0_i32_0 = arith.constant 0 : i32
    return %arg0, %c0_i32 : i32, i32
  }
  func.func @transform_1(%arg0: i32) -> (i32, i32) {
    %c0_i32 = arith.constant 0 : i32
    %c0_i32_0 = arith.constant 0 : i32
    return %arg0, %c0_i32 : i32, i32
  }
  func.func @transform_2(%arg0: i32) -> (i32, i32) {
    %c0_i32 = arith.constant 0 : i32
    %c0_i32_0 = arith.constant 0 : i32
    %c0_i32_1 = arith.constant 0 : i32
    return %c0_i32, %c0_i32_0 : i32, i32
  }
  func.func @transform_3(%arg0: i32) -> (i32, i32) {
    %c0_i32 = arith.constant 0 : i32
    %c0_i32_0 = arith.constant 0 : i32
    %c0_i32_1 = arith.constant 0 : i32
    return %c0_i32, %c0_i32_0 : i32, i32
  }
  func.func @transform_4(%arg0: i32) -> (i32, i32) {
    %c0_i32 = arith.constant 0 : i32
    %c0_i32_0 = arith.constant 0 : i32
    return %arg0, %c0_i32 : i32, i32
  }
}

module attributes {stable_mosaic.version = 14 : i64} {
  func.func @_layer_body(%arg0: i32, %arg1: memref<1024x128xf32, #tpu.memory_space<vmem>>, %arg2: memref<2x1024x128xf32, #tpu.memory_space<vmem>>, %arg3: memref<2x1024x128xf32, #tpu.memory_space<vmem>>, %arg4: memref<128x256xf32, #tpu.memory_space<vmem>>, %arg5: memref<1x128xf32, #tpu.memory_space<vmem>>, %arg6: memref<1024x128xf32, #tpu.memory_space<vmem>>) attributes {dimension_semantics = [#tpu.dimension_semantics<arbitrary>], iteration_bounds = array<i64: 10>, scalar_prefetch = 0 : i64, scratch_operands = 0 : i64, tpu.core_type = #tpu.core_type<tc>, window_params = [{transform_indices = @transform_0, window_bounds = array<i64: 1024, 128>}, {transform_indices = @transform_1, window_bounds = array<i64: 2, 1024, 128>}, {transform_indices = @transform_2, window_bounds = array<i64: 2, 1024, 128>}, {pipeline_mode = #tpu.pipeline_mode<synchronous>, transform_indices = @transform_3, window_bounds = array<i64: 128, 256>}, {pipeline_mode = #tpu.pipeline_mode<synchronous>, transform_indices = @transform_4, window_bounds = array<i64: 1, 128>}, {transform_indices = @transform_5, window_bounds = array<i64: 1024, 128>}]} {
    %get3A = arith.constant 0 : index
    %get3A_0 = arith.constant 0 : index
    %get3A_1 = arith.constant 0 : index
    %get3A_2 = vector.load %arg2[%get3A, %get3A_0, %get3A_1] : memref<2x1024x128xf32, #tpu.memory_space<vmem>>, vector<1x1024x128xf32>
    %get3A_3 = vector.shape_cast %get3A_2 : vector<1x1024x128xf32> to vector<1024x128xf32>
    %get3A_4 = arith.constant 1 : index
    %get3A_5 = arith.constant 0 : index
    %get3A_6 = arith.constant 0 : index
    %get3A_7 = vector.load %arg2[%get3A_4, %get3A_5, %get3A_6] : memref<2x1024x128xf32, #tpu.memory_space<vmem>>, vector<1x1024x128xf32>
    %get3A_8 = vector.shape_cast %get3A_7 : vector<1x1024x128xf32> to vector<1024x128xf32>
    %add3A = arith.addf %get3A_3, %get3A_8 : vector<1024x128xf32>
    %get3A_9 = arith.constant 0 : index
    %get3A_10 = arith.constant 0 : index
    %get3A_11 = arith.constant 0 : index
    %get3A_12 = vector.load %arg3[%get3A_9, %get3A_10, %get3A_11] : memref<2x1024x128xf32, #tpu.memory_space<vmem>>, vector<1x1024x128xf32>
    %get3A_13 = vector.shape_cast %get3A_12 : vector<1x1024x128xf32> to vector<1024x128xf32>
    %get3A_14 = arith.constant 1 : index
    %get3A_15 = arith.constant 0 : index
    %get3A_16 = arith.constant 0 : index
    %get3A_17 = vector.load %arg3[%get3A_14, %get3A_15, %get3A_16] : memref<2x1024x128xf32, #tpu.memory_space<vmem>>, vector<1x1024x128xf32>
    %get3A_18 = vector.shape_cast %get3A_17 : vector<1x1024x128xf32> to vector<1024x128xf32>
    %add3A_19 = arith.addf %get3A_13, %get3A_18 : vector<1024x128xf32>
    %slice3A = vector.extract_strided_slice %add3A_19 {offsets = [0, 0], sizes = [1024, 1], strides = [1, 1]} : vector<1024x128xf32> to vector<1024x1xf32>
    %max3A = arith.constant 1.000000e+00 : f32
    %max3A_20 = vector.broadcast %max3A : f32 to vector<1024x1xf32>
    %max3A_21 = arith.maximumf %slice3A, %max3A_20 : vector<1024x1xf32>
    %div3A = arith.constant 1.000000e+00 : f32
    %div3A_22 = vector.broadcast %div3A : f32 to vector<1024x1xf32>
    %div3A_23 = arith.divf %div3A_22, %max3A_21 : vector<1024x1xf32>
    %get3A_24 = arith.constant 0 : index
    %get3A_25 = arith.constant 0 : index
    %get3A_26 = vector.load %arg1[%get3A_24, %get3A_25] : memref<1024x128xf32, #tpu.memory_space<vmem>>, vector<1024x128xf32>
    %mul3A = vector.broadcast %div3A_23 : vector<1024x1xf32> to vector<1024x128xf32>
    %mul3A_27 = arith.mulf %add3A, %mul3A : vector<1024x128xf32>
    %get3A_28 = arith.constant 0 : index
    %get3A_29 = arith.constant 0 : index
    %get3A_30 = vector.load %arg4[%get3A_28, %get3A_29] : memref<128x256xf32, #tpu.memory_space<vmem>>, vector<128x256xf32>
    %slice3A_31 = vector.extract_strided_slice %get3A_30 {offsets = [0, 0], sizes = [128, 128], strides = [1, 1]} : vector<128x256xf32> to vector<128x128xf32>
    %dot_general3A = arith.constant dense<0.000000e+00> : vector<1024x128xf32>
    %dot_general3A_32 = tpu.matmul %get3A_26, %slice3A_31, %dot_general3A {dimension_numbers = #tpu.dot_dimension_numbers<[1], [1], [0], [0], [0, 0, 1, 0], [], []>, transpose_lhs_hint = false} : vector<1024x128xf32>, vector<128x128xf32>, vector<1024x128xf32> -> vector<1024x128xf32>
    %slice3A_33 = vector.extract_strided_slice %get3A_30 {offsets = [0, 128], sizes = [128, 128], strides = [1, 1]} : vector<128x256xf32> to vector<128x128xf32>
    %dot_general3A_34 = arith.constant dense<0.000000e+00> : vector<1024x128xf32>
    %dot_general3A_35 = tpu.matmul %mul3A_27, %slice3A_33, %dot_general3A_34 {dimension_numbers = #tpu.dot_dimension_numbers<[1], [1], [0], [0], [0, 0, 1, 0], [], []>, transpose_lhs_hint = false} : vector<1024x128xf32>, vector<128x128xf32>, vector<1024x128xf32> -> vector<1024x128xf32>
    %add3A_36 = arith.addf %dot_general3A_32, %dot_general3A_35 : vector<1024x128xf32>
    %get3A_37 = arith.constant 0 : index
    %get3A_38 = arith.constant 0 : index
    %get3A_39 = vector.load %arg5[%get3A_37, %get3A_38] : memref<1x128xf32, #tpu.memory_space<vmem>>, vector<1x128xf32>
    %add3A_40 = vector.broadcast %get3A_39 : vector<1x128xf32> to vector<1024x128xf32>
    %add3A_41 = arith.addf %add3A_36, %add3A_40 : vector<1024x128xf32>
    %mul3A_42 = arith.mulf %add3A_41, %add3A_41 : vector<1024x128xf32>
    %reduce_sum3A = arith.constant dense<0.000000e+00> : vector<1024xf32>
    %reduce_sum3A_43 = vector.multi_reduction <add>, %mul3A_42, %reduce_sum3A [1] : vector<1024x128xf32> to vector<1024xf32>
    %broadcast_in_dim3A = vector.shape_cast %reduce_sum3A_43 : vector<1024xf32> to vector<1024x1xf32>
    %sqrt3A = math.sqrt %broadcast_in_dim3A : vector<1024x1xf32>
    %max3A_44 = arith.constant 9.99999997E-7 : f32
    %max3A_45 = vector.broadcast %max3A_44 : f32 to vector<1024x1xf32>
    %max3A_46 = arith.maximumf %sqrt3A, %max3A_45 : vector<1024x1xf32>
    %div3A_47 = vector.broadcast %max3A_46 : vector<1024x1xf32> to vector<1024x128xf32>
    %div3A_48 = arith.divf %add3A_41, %div3A_47 : vector<1024x128xf32>
    %swap3A = arith.constant 0 : index
    %swap3A_49 = arith.constant 0 : index
    %swap3A_50 = vector.load %arg6[%swap3A, %swap3A_49] : memref<1024x128xf32, #tpu.memory_space<vmem>>, vector<1024x128xf32>
    tpu.vector_store %arg6[%swap3A, %swap3A_49], %div3A_48 {strides = array<i32>} : memref<1024x128xf32, #tpu.memory_space<vmem>>, vector<1024x128xf32>,
    return
  }
  func.func @transform_0(%arg0: i32) -> (i32, i32) {
    %c0_i32 = arith.constant 0 : i32
    %c0_i32_0 = arith.constant 0 : i32
    return %arg0, %c0_i32 : i32, i32
  }
  func.func @transform_1(%arg0: i32) -> (i32, i32, i32) {
    %c0_i32 = arith.constant 0 : i32
    %c0_i32_0 = arith.constant 0 : i32
    %c0_i32_1 = arith.constant 0 : i32
    return %c0_i32, %arg0, %c0_i32_0 : i32, i32, i32
  }
  func.func @transform_2(%arg0: i32) -> (i32, i32, i32) {
    %c0_i32 = arith.constant 0 : i32
    %c0_i32_0 = arith.constant 0 : i32
    %c0_i32_1 = arith.constant 0 : i32
    return %c0_i32, %arg0, %c0_i32_0 : i32, i32, i32
  }
  func.func @transform_3(%arg0: i32) -> (i32, i32) {
    %c0_i32 = arith.constant 0 : i32
    %c0_i32_0 = arith.constant 0 : i32
    %c0_i32_1 = arith.constant 0 : i32
    return %c0_i32, %c0_i32_0 : i32, i32
  }
  func.func @transform_4(%arg0: i32) -> (i32, i32) {
    %c0_i32 = arith.constant 0 : i32
    %c0_i32_0 = arith.constant 0 : i32
    %c0_i32_1 = arith.constant 0 : i32
    return %c0_i32, %c0_i32_0 : i32, i32
  }
  func.func @transform_5(%arg0: i32) -> (i32, i32) {
    %c0_i32 = arith.constant 0 : i32
    %c0_i32_0 = arith.constant 0 : i32
    return %arg0, %c0_i32 : i32, i32
  }
}

module attributes {stable_mosaic.version = 14 : i64} {
  func.func @_layer_body(%arg0: i32, %arg1: memref<1024x128xf32, #tpu.memory_space<vmem>>, %arg2: memref<2x1024x128xf32, #tpu.memory_space<vmem>>, %arg3: memref<2x1024x128xf32, #tpu.memory_space<vmem>>, %arg4: memref<128x256xf32, #tpu.memory_space<vmem>>, %arg5: memref<1x128xf32, #tpu.memory_space<vmem>>, %arg6: memref<1024x128xf32, #tpu.memory_space<vmem>>) attributes {dimension_semantics = [#tpu.dimension_semantics<arbitrary>], iteration_bounds = array<i64: 10>, scalar_prefetch = 0 : i64, scratch_operands = 0 : i64, tpu.core_type = #tpu.core_type<tc>, window_params = [{transform_indices = @transform_0, window_bounds = array<i64: 1024, 128>}, {transform_indices = @transform_1, window_bounds = array<i64: 2, 1024, 128>}, {transform_indices = @transform_2, window_bounds = array<i64: 2, 1024, 128>}, {pipeline_mode = #tpu.pipeline_mode<synchronous>, transform_indices = @transform_3, window_bounds = array<i64: 128, 256>}, {pipeline_mode = #tpu.pipeline_mode<synchronous>, transform_indices = @transform_4, window_bounds = array<i64: 1, 128>}, {transform_indices = @transform_5, window_bounds = array<i64: 1024, 128>}]} {
    %get3A = arith.constant 0 : index
    %get3A_0 = arith.constant 0 : index
    %get3A_1 = arith.constant 0 : index
    %get3A_2 = vector.load %arg2[%get3A, %get3A_0, %get3A_1] : memref<2x1024x128xf32, #tpu.memory_space<vmem>>, vector<1x1024x128xf32>
    %get3A_3 = vector.shape_cast %get3A_2 : vector<1x1024x128xf32> to vector<1024x128xf32>
    %get3A_4 = arith.constant 1 : index
    %get3A_5 = arith.constant 0 : index
    %get3A_6 = arith.constant 0 : index
    %get3A_7 = vector.load %arg2[%get3A_4, %get3A_5, %get3A_6] : memref<2x1024x128xf32, #tpu.memory_space<vmem>>, vector<1x1024x128xf32>
    %get3A_8 = vector.shape_cast %get3A_7 : vector<1x1024x128xf32> to vector<1024x128xf32>
    %add3A = arith.addf %get3A_3, %get3A_8 : vector<1024x128xf32>
    %get3A_9 = arith.constant 0 : index
    %get3A_10 = arith.constant 0 : index
    %get3A_11 = arith.constant 0 : index
    %get3A_12 = vector.load %arg3[%get3A_9, %get3A_10, %get3A_11] : memref<2x1024x128xf32, #tpu.memory_space<vmem>>, vector<1x1024x128xf32>
    %get3A_13 = vector.shape_cast %get3A_12 : vector<1x1024x128xf32> to vector<1024x128xf32>
    %get3A_14 = arith.constant 1 : index
    %get3A_15 = arith.constant 0 : index
    %get3A_16 = arith.constant 0 : index
    %get3A_17 = vector.load %arg3[%get3A_14, %get3A_15, %get3A_16] : memref<2x1024x128xf32, #tpu.memory_space<vmem>>, vector<1x1024x128xf32>
    %get3A_18 = vector.shape_cast %get3A_17 : vector<1x1024x128xf32> to vector<1024x128xf32>
    %add3A_19 = arith.addf %get3A_13, %get3A_18 : vector<1024x128xf32>
    %slice3A = vector.extract_strided_slice %add3A_19 {offsets = [0, 0], sizes = [1024, 1], strides = [1, 1]} : vector<1024x128xf32> to vector<1024x1xf32>
    %max3A = arith.constant 1.000000e+00 : f32
    %max3A_20 = vector.broadcast %max3A : f32 to vector<1024x1xf32>
    %max3A_21 = arith.maximumf %slice3A, %max3A_20 : vector<1024x1xf32>
    %div3A = arith.constant 1.000000e+00 : f32
    %div3A_22 = vector.broadcast %div3A : f32 to vector<1024x1xf32>
    %div3A_23 = arith.divf %div3A_22, %max3A_21 : vector<1024x1xf32>
    %get3A_24 = arith.constant 0 : index
    %get3A_25 = arith.constant 0 : index
    %get3A_26 = vector.load %arg1[%get3A_24, %get3A_25] : memref<1024x128xf32, #tpu.memory_space<vmem>>, vector<1024x128xf32>
    %mul3A = vector.broadcast %div3A_23 : vector<1024x1xf32> to vector<1024x128xf32>
    %mul3A_27 = arith.mulf %add3A, %mul3A : vector<1024x128xf32>
    %get3A_28 = arith.constant 0 : index
    %get3A_29 = arith.constant 0 : index
    %get3A_30 = vector.load %arg4[%get3A_28, %get3A_29] : memref<128x256xf32, #tpu.memory_space<vmem>>, vector<128x256xf32>
    %slice3A_31 = vector.extract_strided_slice %get3A_30 {offsets = [0, 0], sizes = [128, 128], strides = [1, 1]} : vector<128x256xf32> to vector<128x128xf32>
    %dot_general3A = arith.constant dense<0.000000e+00> : vector<1024x128xf32>
    %dot_general3A_32 = tpu.matmul %get3A_26, %slice3A_31, %dot_general3A {dimension_numbers = #tpu.dot_dimension_numbers<[1], [1], [0], [0], [0, 0, 1, 0], [], []>, transpose_lhs_hint = false} : vector<1024x128xf32>, vector<128x128xf32>, vector<1024x128xf32> -> vector<1024x128xf32>
    %slice3A_33 = vector.extract_strided_slice %get3A_30 {offsets = [0, 128], sizes = [128, 128], strides = [1, 1]} : vector<128x256xf32> to vector<128x128xf32>
    %dot_general3A_34 = arith.constant dense<0.000000e+00> : vector<1024x128xf32>
    %dot_general3A_35 = tpu.matmul %mul3A_27, %slice3A_33, %dot_general3A_34 {dimension_numbers = #tpu.dot_dimension_numbers<[1], [1], [0], [0], [0, 0, 1, 0], [], []>, transpose_lhs_hint = false} : vector<1024x128xf32>, vector<128x128xf32>, vector<1024x128xf32> -> vector<1024x128xf32>
    %add3A_36 = arith.addf %dot_general3A_32, %dot_general3A_35 : vector<1024x128xf32>
    %get3A_37 = arith.constant 0 : index
    %get3A_38 = arith.constant 0 : index
    %get3A_39 = vector.load %arg5[%get3A_37, %get3A_38] : memref<1x128xf32, #tpu.memory_space<vmem>>, vector<1x128xf32>
    %add3A_40 = vector.broadcast %get3A_39 : vector<1x128xf32> to vector<1024x128xf32>
    %add3A_41 = arith.addf %add3A_36, %add3A_40 : vector<1024x128xf32>
    %ge3A = arith.constant 0.000000e+00 : f32
    %ge3A_42 = vector.broadcast %ge3A : f32 to vector<1024x128xf32>
    %ge3A_43 = arith.cmpf oge, %add3A_41, %ge3A_42 : vector<1024x128xf32>
    %mul3A_44 = arith.constant 0.00999999977 : f32
    %mul3A_45 = vector.broadcast %mul3A_44 : f32 to vector<1024x128xf32>
    %mul3A_46 = arith.mulf %mul3A_45, %add3A_41 : vector<1024x128xf32>
    %select_n3A = arith.select %ge3A_43, %add3A_41, %mul3A_46 : vector<1024x128xi1>, vector<1024x128xf32>
    %mul3A_47 = arith.mulf %select_n3A, %select_n3A : vector<1024x128xf32>
    %reduce_sum3A = arith.constant dense<0.000000e+00> : vector<1024xf32>
    %reduce_sum3A_48 = vector.multi_reduction <add>, %mul3A_47, %reduce_sum3A [1] : vector<1024x128xf32> to vector<1024xf32>
    %broadcast_in_dim3A = vector.shape_cast %reduce_sum3A_48 : vector<1024xf32> to vector<1024x1xf32>
    %sqrt3A = math.sqrt %broadcast_in_dim3A : vector<1024x1xf32>
    %max3A_49 = arith.constant 9.99999997E-7 : f32
    %max3A_50 = vector.broadcast %max3A_49 : f32 to vector<1024x1xf32>
    %max3A_51 = arith.maximumf %sqrt3A, %max3A_50 : vector<1024x1xf32>
    %div3A_52 = vector.broadcast %max3A_51 : vector<1024x1xf32> to vector<1024x128xf32>
    %div3A_53 = arith.divf %select_n3A, %div3A_52 : vector<1024x128xf32>
    %swap3A = arith.constant 0 : index
    %swap3A_54 = arith.constant 0 : index
    %swap3A_55 = vector.load %arg6[%swap3A, %swap3A_54] : memref<1024x128xf32, #tpu.memory_space<vmem>>, vector<1024x128xf32>
    tpu.vector_store %arg6[%swap3A, %swap3A_54], %div3A_53 {strides = array<i32>} : memref<1024x128xf32, #tpu.memory_space<vmem>>, vector<1024x128xf32>,
    return
  }
  func.func @transform_0(%arg0: i32) -> (i32, i32) {
    %c0_i32 = arith.constant 0 : i32
    %c0_i32_0 = arith.constant 0 : i32
    return %arg0, %c0_i32 : i32, i32
  }
  func.func @transform_1(%arg0: i32) -> (i32, i32, i32) {
    %c0_i32 = arith.constant 0 : i32
    %c0_i32_0 = arith.constant 0 : i32
    %c0_i32_1 = arith.constant 0 : i32
    return %c0_i32, %arg0, %c0_i32_0 : i32, i32, i32
  }
  func.func @transform_2(%arg0: i32) -> (i32, i32, i32) {
    %c0_i32 = arith.constant 0 : i32
    %c0_i32_0 = arith.constant 0 : i32
    %c0_i32_1 = arith.constant 0 : i32
    return %c0_i32, %arg0, %c0_i32_0 : i32, i32, i32
  }
  func.func @transform_3(%arg0: i32) -> (i32, i32) {
    %c0_i32 = arith.constant 0 : i32
    %c0_i32_0 = arith.constant 0 : i32
    %c0_i32_1 = arith.constant 0 : i32
    return %c0_i32, %c0_i32_0 : i32, i32
  }
  func.func @transform_4(%arg0: i32) -> (i32, i32) {
    %c0_i32 = arith.constant 0 : i32
    %c0_i32_0 = arith.constant 0 : i32
    %c0_i32_1 = arith.constant 0 : i32
    return %c0_i32, %c0_i32_0 : i32, i32
  }
  func.func @transform_5(%arg0: i32) -> (i32, i32) {
    %c0_i32 = arith.constant 0 : i32
    %c0_i32_0 = arith.constant 0 : i32
    return %arg0, %c0_i32 : i32, i32
  }
}

</mosaic_0001>

<sc_bundles>
// kernel: kernel.10.cloned.1.call-start
scs
__scs_entry_jumppad:
0x0: {  	(pc) =	sbr.rel $0x88, $3  }
0x1: {  	(tag) =	ssettag $0x0;
	lr =	simm.s32 $0x1  }
0x2: {  	[smem:$0x3F98] =	sst lr;
	_ =	strace $0xD0000000  }
0x3: {  	_ = 	snop  }
0x4: {  	_ = 	snop  }
0x5: {  	_ = 	snop  }
0x6: {  	_ = 	snop  }
0x7: {  	_ = 	snop  }
__scs_overlays_trampoline_lowered:
0x8: {  	[smem:$0x3FA7] =	sst s0  }
0x9: {  	[smem:$0x3FA8] =	sst s1  }
0xa: {  	[smem:$0x3FA9] =	sst s2  }
0xb: {  	[smem:$0x3FAA] =	sst s3  }
0xc: {  	[smem:$0x3FAB] =	sst s4  }
0xd: {  	[smem:$0x3FAC] =	sst s5  }
0xe: {  	[smem:$0x3FAD] =	sst s6  }
0xf: {  	[smem:$0x3FAE] =	sst s7  }
0x10: {  	[smem:$0x3FAF] =	sst s8  }
0x11: {  	[smem:$0x3FB0] =	sst s9;
	s0 =	simm.s32 @!p0 $0x0  }
0x12: {  	s1 =	sld [smem:$0x3F96];
	s0 =	simm.s32 @p0 $0x1  }
0x13: {  	[smem:$0x3FB1] =	sst s0;
	s0 =	simm.s32 @!p1 $0x0  }
0x14: {  	s2 =	sld [smem:$0x3F95];
	s0 =	simm.s32 @p1 $0x1  }
0x15: {  	[smem:$0x3FB2] =	sst s0;
	s0 =	simm.s32 @!p2 $0x0  }
0x16: {  	s3 =	sld [smem:$0x3FDB];
	s0 =	simm.s32 @p2 $0x1  }
0x17: {  	s4 =	simm.s32 $0x1BF5;
	[smem:$0x3FB4] =	sst s0  }
0x18: {  	s0 =	sld [smem:$0x3F97];
	_ =	swait.ge [sflag:s4], $0x0  }
0x19: {  	s7 =	sld [smem:$0x3F98]  }
0x1a: {  	s8 =	sadd.s32 $0xFFFFE003, lr  }
0x1b: {  	s9 =	sadd.s32 $0xFFFFFEF7, lr;
	s5 =	simm.s32 $0xFFFFFFFF;
	p2 =	slt.u32 s8, $0xFFFFF086  }
0x1c: {  	p1 =	slt.u32 s9, $0xF7A;
	s5 =	simm.s32 @!p2 $0x0  }
0x1d: {  	s5 =	simm.s32 @p1 $0x1;
	p0 =	seq.s32 s7, s2  }
0x1e: {  	s7 =	smul.u32 @!p0 $0xF7A, s2;
	p2 =	seq.s32 @!p0 s5, $0x0  }
0x1f: {  	s9 =	smul.u32 $0xF7A, s1;
	s8 =	simm.s32 @!p0 $0x1BF5;
	p2 =	por !p2, p0  }
0x20: {  	[sflag:s8] =	ssyncset.s32 @!p0 $0xFFFFF086;
	s6 =	sadd.s32 @!p0 s3, s7;
	s7 =	simm.s32 @!p0 $0x108  }
0x21: {  	s3 =	sadd.s32 s3, s9;
	s6 =	sadd.s32 @!p0 $0x88, s6;
	s7 =	simm.s32 @p2 $0x1082  }
0x22: {  	[simem:s7], [sflag:s8] =	dma.local @!p0 [hbm:s6], $0xF7A  }
0x23: {  	s9 =	sor.u32 $0xD0000000, s2;
	s6 =	simm.s32 $0x108;
	_ =	swait.ge @!p0 [sflag:s8], $0x0  }
0x24: {  	s3 =	sadd.s32 $0x88, s3;
	s6 =	simm.s32 @!p1 $0x1082;
	[sflag:s4] =	ssyncset.s32 $0xFFFFF086  }
0x25: {  	[simem:s6], [sflag:s4] =	dma.local [hbm:s3], $0xF7A  }
0x26: {  	[smem:$0x3F98] =	sst s1;
	(tag) =	ssettag s2;
	_ =	strace s9  }
0x27: {  	s1 =	sld [smem:$0x3FA8]  }
0x28: {  	s2 =	sld [smem:$0x3FA9]  }
0x29: {  	s4 =	sld [smem:$0x3FAB]  }
0x2a: {  	p0 =	seq.s32 s5, $0x0;
	s5 =	sld [smem:$0x3FAC]  }
0x2b: {  	s6 =	sld [smem:$0x3FAD]  }
0x2c: {  	s7 =	sld [smem:$0x3FAE]  }
0x2d: {  	s3 =	simm.s32 $0x108;
	s8 =	sld [smem:$0x3FAF]  }
0x2e: {  	s3 =	simm.s32 @!p0 $0x1082;
	s9 =	sld [smem:$0x3FB0]  }
0x2f: {  	lr =	sadd.s32 s0, s3;
	s0 =	sld [smem:$0x3FA7]  }
0x30: {  	s3 =	sld [smem:$0x3FAA]  }
0x31: {  	[smem:$0x3FB3] =	sst s10  }
0x32: {  	s10 =	sld [smem:$0x3FB1];
	_ =	sdelay $0x3  }
0x33: {  	p0 =	seq.s32 s10, $0x1;
	s10 =	sld [smem:$0x3FB3];
	_ =	sdelay $0x3  }
0x34: {  	[smem:$0x3FB3] =	sst s10  }
0x35: {  	s10 =	sld [smem:$0x3FB2];
	_ =	sdelay $0x3  }
0x36: {  	p1 =	seq.s32 s10, $0x1;
	s10 =	sld [smem:$0x3FB3];
	_ =	sdelay $0x3  }
0x37: {  	[smem:$0x3FB3] =	sst s10  }
0x38: {  	s10 =	sld [smem:$0x3FB4]  }
0x39: {  	_ = 	snop;
	(pc) =	sbr.ind lr, $3  }
0x3a: {  	_ = 	snop  }
0x3b: {  	_ = 	snop  }
0x3c: {  	p2 =	seq.s32 s10, $0x1;
	s10 =	sld [smem:$0x3FB3]  }
0x3d: {  	_ =	shalt  }
0x3e: {  	_ =	shalt  }
0x3f: {  	_ =	shalt  }
0x40: {  	_ =	shalt  }
0x41: {  	_ =	shalt  }
0x42: {  	_ =	shalt  }
0x43: {  	_ =	shalt  }
0x44: {  	_ =	shalt  }
0x45: {  	_ =	shalt  }
0x46: {  	_ =	shalt  }
0x47: {  	_ =	shalt  }
0x48: {  	_ =	shalt  }
0x49: {  	_ =	shalt  }
0x4a: {  	_ =	shalt  }
0x4b: {  	_ =	shalt  }
0x4c: {  	_ =	shalt  }
0x4d: {  	_ =	shalt  }
0x4e: {  	_ =	shalt  }
0x4f: {  	_ =	shalt  }
0x50: {  	_ =	shalt  }
0x51: {  	_ =	shalt  }
0x52: {  	_ =	shalt  }
0x53: {  	_ =	shalt  }
0x54: {  	_ =	shalt  }
0x55: {  	_ =	shalt  }
0x56: {  	_ =	shalt  }
0x57: {  	_ =	shalt  }
0x58: {  	_ =	shalt  }
0x59: {  	_ =	shalt  }
0x5a: {  	_ =	shalt  }
0x5b: {  	_ =	shalt  }
0x5c: {  	_ =	shalt  }
0x5d: {  	_ =	shalt  }
0x5e: {  	_ =	shalt  }
0x5f: {  	_ =	shalt  }
0x60: {  	_ =	shalt  }
0x61: {  	_ =	shalt  }
0x62: {  	_ =	shalt  }
0x63: {  	_ =	shalt  }
0x64: {  	_ =	shalt  }
0x65: {  	_ =	shalt  }
0x66: {  	_ =	shalt  }
0x67: {  	_ =	shalt  }
0x68: {  	_ =	shalt  }
0x69: {  	_ =	shalt  }
0x6a: {  	_ =	shalt  }
0x6b: {  	_ =	shalt  }
0x6c: {  	_ =	shalt  }
0x6d: {  	_ =	shalt  }
0x6e: {  	_ =	shalt  }
0x6f: {  	_ =	shalt  }
0x70: {  	_ =	shalt  }
0x71: {  	_ =	shalt  }
0x72: {  	_ =	shalt  }
0x73: {  	_ =	shalt  }
0x74: {  	_ =	shalt  }
0x75: {  	_ =	shalt  }
0x76: {  	_ =	shalt  }
0x77: {  	_ =	shalt  }
0x78: {  	_ =	shalt  }
0x79: {  	_ =	shalt  }
0x7a: {  	_ =	shalt  }
0x7b: {  	_ =	shalt  }
0x7c: {  	_ =	shalt  }
0x7d: {  	_ =	shalt  }
0x7e: {  	_ =	shalt  }
0x7f: {  	_ =	shalt  }
0x80: {  	_ =	shalt  }
0x81: {  	_ =	shalt  }
0x82: {  	_ =	shalt  }
0x83: {  	_ =	shalt  }
0x84: {  	_ =	shalt  }
0x85: {  	_ =	shalt  }
0x86: {  	_ =	shalt  }
0x87: {  	_ =	shalt  }
.Lfunc_end0:
.L_simem_size_0:
called_computation.1_lowered:
.L_overlay_start_0:
0x88: {  	s2 =	sld [smem:$0x3FD9]  }
0x89: {  	s3 =	sld [smem:$0x3FFE];
	_ =	sdelay $0x1  }
0x8a: {  	s1 =	srdreg.scid  }
0x8b: {  	s0 =	sand.u32 $0x1, s1  }
0x8c: {  	s17 =	sshll.u32 s0, $0xA;
	s2 =	sadd.s32 s3, s2  }
0x8d: {  	s2 =	sadd.s32 s2, s17  }
0x8e: {  	[smem:$0x3FBF] =	sst s2  }
0x8f: {  	_ = 	snop  }
0x90: {  	s2 =	sld [smem:$0x3FD0];
	(tm) =	ssettm $0x1  }
0x91: {  	s18 =	sld [smem:$0x3FFB];
	_ =	sdelay $0x3  }
0x92: {  	_ =	strace s18  }
0x93: {  	s3 =	sld [smem:$0x3FFC];
	_ =	sdelay $0x3  }
0x94: {  	_ =	strace s3  }
0x95: {  	s3 =	sld [smem:$0x3FFD];
	_ =	sdelay $0x3  }
0x96: {  	_ =	strace s3  }
0x97: {  	_ =	strace $0x8FFFFFFF  }
0x98: {  	s19 =	sld [smem:$0x3FDB];
	_ =	sdelay $0x1  }
0x99: {  	s4 =	simm.s32 $_scs_section_size  }
0x9a: {  	s5 =	simm.s32 $_size__tile_overlayer_lowered;
	s6 =	simm.s32 $_tile_overlayer_lowered  }
0x9b: {  	s22 =	simm.s32 $0x1BFF;
	s21 =	sshll.u32 s6, $0x1;
	s3 =	sadd.s32 s4, s19  }
0x9c: {  	s7 =	simm.s32 $0x0;
	s20 =	sshll.u32 s5, $0x1;
	s5 =	sadd.s32 s21, s3  }
0x9d: {  	[timem:s7], [sflag:s22] =	dma.local [hbm:s5], s20  }
0x9e: {  	_ =	swait.ge [sflag:s22], s20  }
0x9f: {  	s4 =	ssub.s32 $0x0, s20;
	[sflag:s22] =	ssyncset.done $0x0  }
0xa0: {  	[sflag:s22] =	ssyncadd.s32 s4;
	_ =	sdelay $0x1  }
0xa1: {  	s23 =	simm.s32 $0x1B8B  }
0xa2: {  	_ =	swait.ge [sflag:s23], $0x1  }
0xa3: {  	[sflag:s23] =	ssyncset.done $0x0  }
0xa4: {  	s25 =	simm.s32 $0x1B8E;
	s24 =	sld [smem:$0x3FFE];
	[sflag:s23] =	ssyncadd.s32 $0xFFFFFFFF  }
0xa5: {  	s26 =	simm.s32 $execute0_lowered;
	[smem:$0x3FD2] =	sst s25  }
0xa6: {  	s5 =	sshll.u32 s26, $0x1;
	_ =	strace $0x80000049;
	[dreg:$0x1] =	wrdreg $0xFFFFFFFF  }
0xa7: {  	s28 =	simm.s32 $_size_execute0_lowered;
	s3 =	sadd.s32 s3, s5;
	[dreg:$0x0] =	wrdreg $0x0  }
0xa8: {  	s5 =	sshll.u32 s28, $0x1;
	[dreg:$0x2] =	wrdreg s3  }
0xa9: {  	[dreg:$0x3] =	wrdreg s5  }
0xaa: {  	[dreg:$0x4] =	wrdreg $0xC0  }
0xab: {  	_ =	task [dreg:s7], $0x5FFFF  }
0xac: {  	[dreg:$0x1] =	wrdreg $0xFFFFFFFF  }
0xad: {  	[dreg:$0x0] =	wrdreg $0x60  }
0xae: {  	[dreg:$0x2] =	wrdreg s24  }
0xaf: {  	[dreg:$0x3] =	wrdreg s2  }
0xb0: {  	[dreg:$0x4] =	wrdreg $0x0  }
0xb1: {  	[dreg:$0x5] =	wrdreg $0x9  }
0xb2: {  	_ =	task.clear_ibuf [dreg:s7], $0x6FFFF;
	_ =	strace $0x90000049  }
0xb3: {  	s29 =	simm.s32 $0x9;
	_ =	strace $0x8000004B  }
0xb4: {  	_ =	swait.ge [sflag:s29], $0x1  }
0xb5: {  	[sflag:s29] =	ssyncadd.s32 $0xFFFFFFFF  }
0xb6: {  	_ =	strace $0x9000004B  }
0xb7: {  	_ =	sfence  }
0xb8: {  	s30 =	sld [smem:$0x0];
	_ =	sdelay $0x2  }
0xb9: {  	s31 =	sshll.u32 s1, $0xD;
	s1 =	sshrl.u32 s1, $0x2  }
0xba: {  	s3 =	sand.u32 $0x4000, s31;
	s1 =	sadd.s32 s1, s30  }
0xbb: {  	s0 =	sor.u32 s3, s0;
	s1 =	sshll.u32 s1, $0x11  }
0xbc: {  	s0 =	sor.u32 s1, s0  }
0xbd: {  	s0 =	sadd.s32 $0x8F2B, s0  }
0xbe: {  	[sflag:s0] =	ssyncadd.remote.s32 $0x1  }
0xbf: {  	_ =	sfence.sel $0xFFFF  }
0xc0: {  	[dreg:$0x0] =	wrdreg $0xFFFFFFFF;
	(pc) =	sbr.abs _section_cstart, $3  }
0xc1: {  	[dreg:$0x1] =	wrdreg $0xFFFFFFFF  }
0xc2: {  	_ =	task.clear_ibuf [dreg:s7], $0x2FFFF;
	_ =	strace $0x9FFFFFFF  }
0xc3: {  	(tm) =	ssettm $0x7FFFFFFF  }
tec
execute0_lowered:
.L_overlay_start_1:
0x0: {  	(tag) =	ssettag $0x1  }
0x1: {  	s0 =	rddreg [dreg:$0x0]  }
0x2: {  	s1 =	rddreg [dreg:$0x1]  }
0x3: {  	s2 =	rddreg [dreg:$0x2]  }
0x4: {  	s4 =	simm.s32 $0x0;
	s3 =	srdreg.scid;
	s13 =	stileid.u32  }
0x5: {  	s28 =	simm.s32 $0x16980;
	s29 =	simm.s32 $0x16A00;
	s30 =	simm.s32 $0x1  }
0x6: {  	s31 =	simm.s32 $0x2;
	[smem:$0x7FF] =	sst s4;
	s8 =	smul.u32 $0x14000, s13  }
0x7: {  	s3 =	sand.u32 $0x1, s3;
	s5 =	sadd.s32 $0xCA00, s0;
	s16 =	smul.u32 $0x50000, s13  }
0x8: {  	s6 =	sadd.s32 $0x2C00, s0;
	s9 =	sadd.s32 $0x35000, s0;
	s14 =	smul.u32 $0x2710, s13  }
0x9: {  	s18 =	sshll.u32 s13, $0x6;
	s7 =	smul.u32 $0x140000, s3;
	_ =	strace $0x8000004A  }
0xa: {  	[dreg:$0x4] =	wrdreg s9;
	s15 =	sshll.u32 s3, $0x4;
	s10 =	ssub.s32 $0x2, s3  }
0xb: {  	s3 =	smul.u32 $0x27100, s3;
	s11 =	sshrl.u32 s10, $0x1;
	s9 =	sshrl.u32 s16, $0x2  }
0xc: {  	s7 =	sadd.s32 s8, s7;
	s8 =	sor.u32 s13, s15;
	s17 =	ssub.s32 s10, s11  }
0xd: {  	s20 =	sadd.s32 s9, s2;
	s23 =	sadd.s32 s14, s3;
	s7 =	sshrl.u32 s7, $0x3  }
0xe: {  	s8 =	smul.u32 $0x2710, s8;
	s14 =	smax.u32 s17, $0x1;
	s25 =	sadd.s32 $0xF0, s23  }
0xf: {  	s20 =	sshrl.u32 s20, $0x3;
	s0 =	sadd.s32 s7, s0;
	s26 =	sshrl.u32 s25, $0x3  }
0x10: {  	s25 =	simm.s32 $0x14100;
	s15 =	sshrl.u32 s8, $0x3;
	s8 =	sor.u32 $0x1C03, s18  }
0x11: {  	s13 =	sadd.s32 $0x37800, s0;
	s17 =	sadd.s32 s26, s1;
	s18 =	sadd.s32 s26, s6  }
0x12: {  	s26 =	simm.s32 $0x16900;
	s0 =	simm.s32 $0x0;
	s19 =	sadd.s32 s6, s15  }
0x13: {  	s12 =	sadd.s32 $0xA, s15;
	s21 =	sadd.s32 s1, s15;
	[dreg:$0x5] =	wrdreg s19  }
0x14: {  	s24 =	sadd.s32 $0x4D8, s15;
	[dreg:$0x6] =	wrdreg s21;
	s22 =	sadd.s32 s6, s12  }
0x15: {  	s12 =	sadd.s32 s1, s12;
	s15 =	sadd.s32 s6, s24;
	s16 =	sadd.s32 s1, s24  }
0x16: {  	s19 =	sadd.s32 $0xA0, s23;
	s21 =	simm.s32 $0x3;
	s23 =	simm.s32 $0x14080  }
0x17: {  	s24 =	simm.s32 $0x50;
	[dreg:$0x7] =	wrdreg s22;
	s22 =	simm.s32 $0x14000  }
.LBB2_1:
0x18: {  	s3 =	rddreg [dreg:$0x4]  }
0x19: {  	[spmem:s20], [sflag:s8] =	dma.local [hbm:s3], $0x2800  }
0x1a: {  	_ =	swait.ge [sflag:s21], $0x2800  }
0x1b: {  	[sflag:s21] =	ssyncset.done $0x0  }
0x1c: {  	[sflag:s21] =	ssyncadd.s32 $0xFFFFD800  }
0x1d: {  	[bflag:$0x0] =	sbarrier.arrive $0xFFFF  }
0x1e: {  	s10 =	rddreg [dreg:$0x5]  }
0x1f: {  	[tilespmem:s22], [sflag:$0x3] =	stream.linear.gather [hbm4b:s10+s4], $0x50, $0x38;
	[tilespmem:$0x19200] =	vst v63  }
0x20: {  	_ =	swait.ge [sflag:s21], $0x50  }
0x21: {  	[sflag:s21] =	ssyncset.done $0x0  }
0x22: {  	s11 =	rddreg [dreg:$0x6];
	[sflag:s21] =	ssyncadd.s32 $0xFFFFFFB0  }
0x23: {  	[tilespmem:s23], [sflag:$0x3] =	stream.linear.gather [hbm4b:s11+s4], $0x50, $0x38;
	[tilespmem:$0x19200] =	vst v63  }
0x24: {  	_ =	swait.ge [sflag:s21], $0x50  }
0x25: {  	[sflag:s21] =	ssyncset.done $0x0  }
0x26: {  	[sflag:s21] =	ssyncadd.s32 $0xFFFFFFB0  }
0x27: {  	[tilespmem:s25], [sflag:$0x1] =	stream.indirect.gather [hbm4b:s5+s24], $0x80, s22, s24, $0xb8;
	[tilespmem:$0x19200] =	vst v63  }
0x28: {  	s7 =	rddreg [dreg:$0x7]  }
0x29: {  	[tilespmem:s26], [sflag:$0x3] =	stream.linear.gather [hbm4b:s7+s4], $0x50, $0x38;
	[tilespmem:$0x19200] =	vst v63  }
0x2a: {  	_ =	swait.ge [sflag:s21], $0x50  }
0x2b: {  	[sflag:s21] =	ssyncset.done $0x0  }
0x2c: {  	[sflag:s21] =	ssyncadd.s32 $0xFFFFFFB0  }
0x2d: {  	[tilespmem:s28], [sflag:$0x3] =	stream.linear.gather [hbm4b:s12+s4], $0x50, $0x38;
	[tilespmem:$0x19200] =	vst v63  }
0x2e: {  	_ =	swait.ge [sflag:s21], $0x50  }
0x2f: {  	[sflag:s21] =	ssyncset.done $0x0  }
0x30: {  	[sflag:s21] =	ssyncadd.s32 $0xFFFFFFB0  }
0x31: {  	[tilespmem:s29], [sflag:$0x2] =	stream.indirect.gather [hbm4b:s5+s24], $0x80, s26, s24, $0xb8;
	[tilespmem:$0x19200] =	vst v63  }
0x32: {  	_ =	swait.ge [sflag:s30], $0x2800  }
0x33: {  	[sflag:s30] =	ssyncset.done $0x0  }
0x34: {  	[sflag:s30] =	ssyncadd.s32 $0xFFFFD800  }
0x35: {  	[spmem:s2] =	stream.indirect.scatter.add.f32 [tilespmem:s25], [sflag:$0x3], $0x80, s23, s24, $0xb8;
	[tilespmem:$0x19200] =	vst v63  }
0x36: {  	_ =	swait.ge [sflag:s21], $0x2800  }
0x37: {  	s9 =	sshrl.u32 s19, $0x3;
	[sflag:s21] =	ssyncset.done $0x0  }
0x38: {  	s7 =	sadd.s32 s6, s9;
	[sflag:s21] =	ssyncadd.s32 $0xFFFFD800  }
0x39: {  	[tilespmem:s22], [sflag:$0x3] =	stream.linear.gather [hbm4b:s7+s4], $0x50, $0x38;
	[tilespmem:$0x19200] =	vst v63  }
0x3a: {  	_ =	swait.ge [sflag:s21], $0x50  }
0x3b: {  	[sflag:s21] =	ssyncset.done $0x0  }
0x3c: {  	s3 =	sadd.s32 s1, s9;
	[sflag:s21] =	ssyncadd.s32 $0xFFFFFFB0  }
0x3d: {  	[tilespmem:s23], [sflag:$0x3] =	stream.linear.gather [hbm4b:s3+s4], $0x50, $0x38;
	[tilespmem:$0x19200] =	vst v63  }
0x3e: {  	_ =	swait.ge [sflag:s21], $0x50  }
0x3f: {  	[sflag:s21] =	ssyncset.done $0x0  }
0x40: {  	[sflag:s21] =	ssyncadd.s32 $0xFFFFFFB0  }
0x41: {  	[tilespmem:s25], [sflag:$0x1] =	stream.indirect.gather [hbm4b:s5+s24], $0x80, s22, s24, $0xb8;
	[tilespmem:$0x19200] =	vst v63  }
0x42: {  	_ =	swait.ge [sflag:s31], $0x2800  }
0x43: {  	[sflag:s31] =	ssyncset.done $0x0  }
0x44: {  	[sflag:s31] =	ssyncadd.s32 $0xFFFFD800  }
0x45: {  	[spmem:s2] =	stream.indirect.scatter.add.f32 [tilespmem:s29], [sflag:$0x3], $0x80, s28, s24, $0xb8;
	[tilespmem:$0x19200] =	vst v63  }
0x46: {  	_ =	swait.ge [sflag:s21], $0x2800  }
0x47: {  	[sflag:s21] =	ssyncset.done $0x0  }
0x48: {  	s10 =	sadd.s32 $0x0, s18;
	[sflag:s21] =	ssyncadd.s32 $0xFFFFD800  }
0x49: {  	[tilespmem:s26], [sflag:$0x3] =	stream.linear.gather [hbm4b:s10+s4], $0x50, $0x38;
	[tilespmem:$0x19200] =	vst v63  }
0x4a: {  	_ =	swait.ge [sflag:s21], $0x50  }
0x4b: {  	[sflag:s21] =	ssyncset.done $0x0  }
0x4c: {  	s11 =	sadd.s32 $0x0, s17;
	[sflag:s21] =	ssyncadd.s32 $0xFFFFFFB0  }
0x4d: {  	[tilespmem:s28], [sflag:$0x3] =	stream.linear.gather [hbm4b:s11+s4], $0x50, $0x38;
	[tilespmem:$0x19200] =	vst v63  }
0x4e: {  	_ =	swait.ge [sflag:s21], $0x50  }
0x4f: {  	[sflag:s21] =	ssyncset.done $0x0  }
0x50: {  	s7 =	sadd.s32 $0xA0, s19;
	s3 =	simm.s32 $0x14;
	[sflag:s21] =	ssyncadd.s32 $0xFFFFFFB0  }
.LBB2_2:
0x51: {  	[tilespmem:s29], [sflag:$0x2] =	stream.indirect.gather [hbm4b:s5+s24], $0x80, s26, s24, $0xb8;
	[tilespmem:$0x19200] =	vst v63  }
0x52: {  	s9 =	smov.u32 s3  }
0x53: {  	p0 =	sne.s32 s3, $0x4B0;
	s3 =	sadd.s32 $0x14, s3;
	_ =	swait.ge [sflag:s30], $0x2800  }
0x54: {  	[sflag:s30] =	ssyncset.done $0x0  }
0x55: {  	[sflag:s30] =	ssyncadd.s32 $0xFFFFD800  }
0x56: {  	[spmem:s2] =	stream.indirect.scatter.add.f32 [tilespmem:s25], [sflag:$0x3], $0x80, s23, s24, $0xb8;
	[tilespmem:$0x19200] =	vst v63  }
0x57: {  	_ =	swait.ge [sflag:s21], $0x2800  }
0x58: {  	s10 =	sshrl.u32 s7, $0x3;
	[sflag:s21] =	ssyncset.done $0x0  }
0x59: {  	s11 =	sadd.s32 s6, s10;
	[sflag:s21] =	ssyncadd.s32 $0xFFFFD800  }
0x5a: {  	[tilespmem:s22], [sflag:$0x3] =	stream.linear.gather [hbm4b:s11+s4], $0x50, $0x38;
	[tilespmem:$0x19200] =	vst v63  }
0x5b: {  	_ =	swait.ge [sflag:s21], $0x50  }
0x5c: {  	[sflag:s21] =	ssyncset.done $0x0  }
0x5d: {  	s10 =	sadd.s32 s1, s10;
	[sflag:s21] =	ssyncadd.s32 $0xFFFFFFB0  }
0x5e: {  	[tilespmem:s23], [sflag:$0x3] =	stream.linear.gather [hbm4b:s10+s4], $0x50, $0x38;
	[tilespmem:$0x19200] =	vst v63  }
0x5f: {  	_ =	swait.ge [sflag:s21], $0x50  }
0x60: {  	[sflag:s21] =	ssyncset.done $0x0  }
0x61: {  	[sflag:s21] =	ssyncadd.s32 $0xFFFFFFB0  }
0x62: {  	[tilespmem:s25], [sflag:$0x1] =	stream.indirect.gather [hbm4b:s5+s24], $0x80, s22, s24, $0xb8;
	[tilespmem:$0x19200] =	vst v63  }
0x63: {  	_ =	swait.ge [sflag:s31], $0x2800  }
0x64: {  	[sflag:s31] =	ssyncset.done $0x0  }
0x65: {  	[sflag:s31] =	ssyncadd.s32 $0xFFFFD800  }
0x66: {  	[spmem:s2] =	stream.indirect.scatter.add.f32 [tilespmem:s29], [sflag:$0x3], $0x80, s28, s24, $0xb8;
	[tilespmem:$0x19200] =	vst v63  }
0x67: {  	_ =	swait.ge [sflag:s21], $0x2800  }
0x68: {  	[sflag:s21] =	ssyncset.done $0x0  }
0x69: {  	s10 =	sadd.s32 s9, s18;
	[sflag:s21] =	ssyncadd.s32 $0xFFFFD800  }
0x6a: {  	[tilespmem:s26], [sflag:$0x3] =	stream.linear.gather [hbm4b:s10+s4], $0x50, $0x38;
	[tilespmem:$0x19200] =	vst v63  }
0x6b: {  	_ =	swait.ge [sflag:s21], $0x50  }
0x6c: {  	[sflag:s21] =	ssyncset.done $0x0  }
.Ltmp0:
0x6d: {  	s9 =	sadd.s32 s9, s17;
	[sflag:s21] =	ssyncadd.s32 $0xFFFFFFB0;
	(pc) =	sbr.rel @p0 .LBB2_2-.Ltmp0, $4  }
0x6e: {  	[tilespmem:s28], [sflag:$0x3] =	stream.linear.gather [hbm4b:s9+s4], $0x50, $0x38;
	[tilespmem:$0x19200] =	vst v63  }
0x6f: {  	_ =	swait.ge [sflag:s21], $0x50  }
0x70: {  	[sflag:s21] =	ssyncset.done $0x0  }
0x71: {  	s7 =	sadd.s32 $0xA0, s7;
	[sflag:s21] =	ssyncadd.s32 $0xFFFFFFB0  }
0x72: {  	[tilespmem:s29], [sflag:$0x2] =	stream.indirect.gather [hbm4b:s5+s24], $0x80, s26, s24, $0xb8;
	[tilespmem:$0x19200] =	vst v63  }
0x73: {  	_ =	swait.ge [sflag:s30], $0x2800  }
0x74: {  	[sflag:s30] =	ssyncset.done $0x0  }
0x75: {  	[sflag:s30] =	ssyncadd.s32 $0xFFFFD800  }
0x76: {  	[spmem:s2] =	stream.indirect.scatter.add.f32 [tilespmem:s25], [sflag:$0x3], $0x80, s23, s24, $0xb8;
	[tilespmem:$0x19200] =	vst v63  }
0x77: {  	_ =	swait.ge [sflag:s21], $0x2800  }
0x78: {  	[sflag:s21] =	ssyncset.done $0x0  }
0x79: {  	[sflag:s21] =	ssyncadd.s32 $0xFFFFD800  }
0x7a: {  	[tilespmem:s22], [sflag:$0x3] =	stream.linear.gather [hbm4b:s15+s4], $0x50, $0x38;
	[tilespmem:$0x19200] =	vst v63  }
0x7b: {  	_ =	swait.ge [sflag:s21], $0x50  }
0x7c: {  	[sflag:s21] =	ssyncset.done $0x0  }
0x7d: {  	[sflag:s21] =	ssyncadd.s32 $0xFFFFFFB0  }
0x7e: {  	[tilespmem:s23], [sflag:$0x3] =	stream.linear.gather [hbm4b:s16+s4], $0x50, $0x38;
	[tilespmem:$0x19200] =	vst v63  }
0x7f: {  	_ =	swait.ge [sflag:s21], $0x50  }
0x80: {  	[sflag:s21] =	ssyncset.done $0x0  }
0x81: {  	[sflag:s21] =	ssyncadd.s32 $0xFFFFFFB0  }
0x82: {  	[tilespmem:s25], [sflag:$0x1] =	stream.indirect.gather [hbm4b:s5+s24], $0x80, s22, s24, $0xb8;
	[tilespmem:$0x19200] =	vst v63  }
0x83: {  	_ =	swait.ge [sflag:s31], $0x2800  }
0x84: {  	[sflag:s31] =	ssyncset.done $0x0  }
0x85: {  	[sflag:s31] =	ssyncadd.s32 $0xFFFFD800  }
0x86: {  	[spmem:s2] =	stream.indirect.scatter.add.f32 [tilespmem:s29], [sflag:$0x3], $0x80, s28, s24, $0xb8;
	[tilespmem:$0x19200] =	vst v63  }
0x87: {  	_ =	swait.ge [sflag:s21], $0x2800  }
0x88: {  	[sflag:s21] =	ssyncset.done $0x0  }
0x89: {  	[sflag:s21] =	ssyncadd.s32 $0xFFFFD800  }
0x8a: {  	_ =	swait.ge [sflag:s30], $0x2800  }
0x8b: {  	[sflag:s30] =	ssyncset.done $0x0  }
0x8c: {  	[sflag:s30] =	ssyncadd.s32 $0xFFFFD800  }
0x8d: {  	[spmem:s2] =	stream.indirect.scatter.add.f32 [tilespmem:s25], [sflag:$0x3], $0x80, s23, s24, $0xb8;
	[tilespmem:$0x19200] =	vst v63  }
0x8e: {  	_ =	swait.ge [sflag:s21], $0x2800  }
0x8f: {  	s0 =	sadd.s32 $0x1, s0;
	[sflag:s21] =	ssyncset.done $0x0  }
0x90: {  	p0 =	sne.s32 s0, s14;
	[sflag:s21] =	ssyncadd.s32 $0xFFFFD800  }
.Ltmp1:
0x91: {  	[bflag:$0x0] =	sbarrier.arrive $0xFFFF;
	(pc) =	sbr.rel @p0 .LBB2_1-.Ltmp1, $4  }
0x92: {  	[hbm:s13], [sflag:s8] =	dma.local [spmem:s20], $0x2800  }
0x93: {  	_ =	swait.ge [sflag:s21], $0x2800  }
0x94: {  	[sflag:s21] =	ssyncset.done $0x0  }
0x95: {  	[sflag:s21] =	ssyncadd.s32 $0xFFFFD800  }
0x96: {  	_ =	sfence.sel $0x180000  }
0x97: {  	[bflag:$0x0] =	sbarrier.arrive $0xFFFF  }
0x98: {  	_ =	strace $0x9000004A  }
0x99: {  	s0 =	stileid.u32;
	[bflag:$0x2] =	sbarrier.arrive $0xFFFF  }
0x9a: {  	p0 =	sne.s32 s0, $0x0;
	s0 =	rddreg [dreg:$0x3]  }
0x9b: {  	s0 =	sadd.s32 @!p0 $0x100000, s0  }
0x9c: {  	[sflag:s0] =	ssyncadd.tile.s32 @!p0 $0x1;
	_ =	shalt  }
.Lfunc_end2:
_tile_overlayer_lowered:
.L_overlay_start_2:
0x9d: {  	(tag) =	ssettag $0x2  }
0x9e: {  	s0 =	rddreg [dreg:$0x0];
	s2 =	stileid.u32  }
0x9f: {  	s1 =	rddreg [dreg:$0x1];
	p0 =	sne.s32 s2, $0x0  }
0xa0: {  	s3 =	rddreg [dreg:$0x2];
	[bflag:$0x3] =	sbarrier.arrive $0xFFFF;
	s2 =	simm.s32 @!p0 $0x1C03  }
0xa1: {  	[timem:s3], [sflag:s2] =	dma.local @!p0 [hbm:s0], s1  }
0xa2: {  	s0 =	simm.s32 @!p0 $0x3  }
0xa3: {  	_ =	swait.ge @!p0 [sflag:s0], s1  }
0xa4: {  	s1 =	ssub.s32 @!p0 $0x0, s1;
	[sflag:s0] =	ssyncset.done @!p0 $0x0  }
0xa5: {  	[sflag:s0] =	ssyncadd.s32 @!p0 s1  }
0xa6: {  	[bflag:$0x3] =	sbarrier.arrive $0xFFFF  }
0xa7: {  	_ =	shalt  }

// kernel: kernel.7.cloned.1.call-start
scs
__scs_entry_jumppad:
0x0: {  	(pc) =	sbr.rel $0x88, $3  }
0x1: {  	(tag) =	ssettag $0x0;
	lr =	simm.s32 $0x1  }
0x2: {  	[smem:$0x3F98] =	sst lr;
	_ =	strace $0xD0000000  }
0x3: {  	_ = 	snop  }
0x4: {  	_ = 	snop  }
0x5: {  	_ = 	snop  }
0x6: {  	_ = 	snop  }
0x7: {  	_ = 	snop  }
__scs_overlays_trampoline_lowered:
0x8: {  	[smem:$0x3FA7] =	sst s0  }
0x9: {  	[smem:$0x3FA8] =	sst s1  }
0xa: {  	[smem:$0x3FA9] =	sst s2  }
0xb: {  	[smem:$0x3FAA] =	sst s3  }
0xc: {  	[smem:$0x3FAB] =	sst s4  }
0xd: {  	[smem:$0x3FAC] =	sst s5  }
0xe: {  	[smem:$0x3FAD] =	sst s6  }
0xf: {  	[smem:$0x3FAE] =	sst s7  }
0x10: {  	[smem:$0x3FAF] =	sst s8  }
0x11: {  	[smem:$0x3FB0] =	sst s9;
	s0 =	simm.s32 @!p0 $0x0  }
0x12: {  	s1 =	sld [smem:$0x3F96];
	s0 =	simm.s32 @p0 $0x1  }
0x13: {  	[smem:$0x3FB1] =	sst s0;
	s0 =	simm.s32 @!p1 $0x0  }
0x14: {  	s2 =	sld [smem:$0x3F95];
	s0 =	simm.s32 @p1 $0x1  }
0x15: {  	[smem:$0x3FB2] =	sst s0;
	s0 =	simm.s32 @!p2 $0x0  }
0x16: {  	s3 =	sld [smem:$0x3FDB];
	s0 =	simm.s32 @p2 $0x1  }
0x17: {  	s4 =	simm.s32 $0x1BF5;
	[smem:$0x3FB4] =	sst s0  }
0x18: {  	s0 =	sld [smem:$0x3F97];
	_ =	swait.ge [sflag:s4], $0x0  }
0x19: {  	s7 =	sld [smem:$0x3F98]  }
0x1a: {  	s8 =	sadd.s32 $0xFFFFE003, lr  }
0x1b: {  	s9 =	sadd.s32 $0xFFFFFEF7, lr;
	s5 =	simm.s32 $0xFFFFFFFF;
	p2 =	slt.u32 s8, $0xFFFFF086  }
0x1c: {  	p1 =	slt.u32 s9, $0xF7A;
	s5 =	simm.s32 @!p2 $0x0  }
0x1d: {  	s5 =	simm.s32 @p1 $0x1;
	p0 =	seq.s32 s7, s2  }
0x1e: {  	s7 =	smul.u32 @!p0 $0xF7A, s2;
	p2 =	seq.s32 @!p0 s5, $0x0  }
0x1f: {  	s9 =	smul.u32 $0xF7A, s1;
	s8 =	simm.s32 @!p0 $0x1BF5;
	p2 =	por !p2, p0  }
0x20: {  	[sflag:s8] =	ssyncset.s32 @!p0 $0xFFFFF086;
	s6 =	sadd.s32 @!p0 s3, s7;
	s7 =	simm.s32 @!p0 $0x108  }
0x21: {  	s3 =	sadd.s32 s3, s9;
	s6 =	sadd.s32 @!p0 $0x88, s6;
	s7 =	simm.s32 @p2 $0x1082  }
0x22: {  	[simem:s7], [sflag:s8] =	dma.local @!p0 [hbm:s6], $0xF7A  }
0x23: {  	s9 =	sor.u32 $0xD0000000, s2;
	s6 =	simm.s32 $0x108;
	_ =	swait.ge @!p0 [sflag:s8], $0x0  }
0x24: {  	s3 =	sadd.s32 $0x88, s3;
	s6 =	simm.s32 @!p1 $0x1082;
	[sflag:s4] =	ssyncset.s32 $0xFFFFF086  }
0x25: {  	[simem:s6], [sflag:s4] =	dma.local [hbm:s3], $0xF7A  }
0x26: {  	[smem:$0x3F98] =	sst s1;
	(tag) =	ssettag s2;
	_ =	strace s9  }
0x27: {  	s1 =	sld [smem:$0x3FA8]  }
0x28: {  	s2 =	sld [smem:$0x3FA9]  }
0x29: {  	s4 =	sld [smem:$0x3FAB]  }
0x2a: {  	p0 =	seq.s32 s5, $0x0;
	s5 =	sld [smem:$0x3FAC]  }
0x2b: {  	s6 =	sld [smem:$0x3FAD]  }
0x2c: {  	s7 =	sld [smem:$0x3FAE]  }
0x2d: {  	s3 =	simm.s32 $0x108;
	s8 =	sld [smem:$0x3FAF]  }
0x2e: {  	s3 =	simm.s32 @!p0 $0x1082;
	s9 =	sld [smem:$0x3FB0]  }
0x2f: {  	lr =	sadd.s32 s0, s3;
	s0 =	sld [smem:$0x3FA7]  }
0x30: {  	s3 =	sld [smem:$0x3FAA]  }
0x31: {  	[smem:$0x3FB3] =	sst s10  }
0x32: {  	s10 =	sld [smem:$0x3FB1];
	_ =	sdelay $0x3  }
0x33: {  	p0 =	seq.s32 s10, $0x1;
	s10 =	sld [smem:$0x3FB3];
	_ =	sdelay $0x3  }
0x34: {  	[smem:$0x3FB3] =	sst s10  }
0x35: {  	s10 =	sld [smem:$0x3FB2];
	_ =	sdelay $0x3  }
0x36: {  	p1 =	seq.s32 s10, $0x1;
	s10 =	sld [smem:$0x3FB3];
	_ =	sdelay $0x3  }
0x37: {  	[smem:$0x3FB3] =	sst s10  }
0x38: {  	s10 =	sld [smem:$0x3FB4]  }
0x39: {  	_ = 	snop;
	(pc) =	sbr.ind lr, $3  }
0x3a: {  	_ = 	snop  }
0x3b: {  	_ = 	snop  }
0x3c: {  	p2 =	seq.s32 s10, $0x1;
	s10 =	sld [smem:$0x3FB3]  }
0x3d: {  	_ =	shalt  }
0x3e: {  	_ =	shalt  }
0x3f: {  	_ =	shalt  }
0x40: {  	_ =	shalt  }
0x41: {  	_ =	shalt  }
0x42: {  	_ =	shalt  }
0x43: {  	_ =	shalt  }
0x44: {  	_ =	shalt  }
0x45: {  	_ =	shalt  }
0x46: {  	_ =	shalt  }
0x47: {  	_ =	shalt  }
0x48: {  	_ =	shalt  }
0x49: {  	_ =	shalt  }
0x4a: {  	_ =	shalt  }
0x4b: {  	_ =	shalt  }
0x4c: {  	_ =	shalt  }
0x4d: {  	_ =	shalt  }
0x4e: {  	_ =	shalt  }
0x4f: {  	_ =	shalt  }
0x50: {  	_ =	shalt  }
0x51: {  	_ =	shalt  }
0x52: {  	_ =	shalt  }
0x53: {  	_ =	shalt  }
0x54: {  	_ =	shalt  }
0x55: {  	_ =	shalt  }
0x56: {  	_ =	shalt  }
0x57: {  	_ =	shalt  }
0x58: {  	_ =	shalt  }
0x59: {  	_ =	shalt  }
0x5a: {  	_ =	shalt  }
0x5b: {  	_ =	shalt  }
0x5c: {  	_ =	shalt  }
0x5d: {  	_ =	shalt  }
0x5e: {  	_ =	shalt  }
0x5f: {  	_ =	shalt  }
0x60: {  	_ =	shalt  }
0x61: {  	_ =	shalt  }
0x62: {  	_ =	shalt  }
0x63: {  	_ =	shalt  }
0x64: {  	_ =	shalt  }
0x65: {  	_ =	shalt  }
0x66: {  	_ =	shalt  }
0x67: {  	_ =	shalt  }
0x68: {  	_ =	shalt  }
0x69: {  	_ =	shalt  }
0x6a: {  	_ =	shalt  }
0x6b: {  	_ =	shalt  }
0x6c: {  	_ =	shalt  }
0x6d: {  	_ =	shalt  }
0x6e: {  	_ =	shalt  }
0x6f: {  	_ =	shalt  }
0x70: {  	_ =	shalt  }
0x71: {  	_ =	shalt  }
0x72: {  	_ =	shalt  }
0x73: {  	_ =	shalt  }
0x74: {  	_ =	shalt  }
0x75: {  	_ =	shalt  }
0x76: {  	_ =	shalt  }
0x77: {  	_ =	shalt  }
0x78: {  	_ =	shalt  }
0x79: {  	_ =	shalt  }
0x7a: {  	_ =	shalt  }
0x7b: {  	_ =	shalt  }
0x7c: {  	_ =	shalt  }
0x7d: {  	_ =	shalt  }
0x7e: {  	_ =	shalt  }
0x7f: {  	_ =	shalt  }
0x80: {  	_ =	shalt  }
0x81: {  	_ =	shalt  }
0x82: {  	_ =	shalt  }
0x83: {  	_ =	shalt  }
0x84: {  	_ =	shalt  }
0x85: {  	_ =	shalt  }
0x86: {  	_ =	shalt  }
0x87: {  	_ =	shalt  }
.Lfunc_end0:
.L_simem_size_0:
called_computation_lowered:
.L_overlay_start_0:
0x88: {  	s2 =	sld [smem:$0x3FD9]  }
0x89: {  	s3 =	sld [smem:$0x3FFE];
	_ =	sdelay $0x1  }
0x8a: {  	s1 =	srdreg.scid  }
0x8b: {  	s0 =	sand.u32 $0x1, s1  }
0x8c: {  	s17 =	sshll.u32 s0, $0xA;
	s2 =	sadd.s32 s3, s2  }
0x8d: {  	s2 =	sadd.s32 s2, s17  }
0x8e: {  	[smem:$0x3FBF] =	sst s2  }
0x8f: {  	_ = 	snop  }
0x90: {  	s2 =	sld [smem:$0x3FD0];
	(tm) =	ssettm $0x1  }
0x91: {  	s18 =	sld [smem:$0x3FFB];
	_ =	sdelay $0x3  }
0x92: {  	_ =	strace s18  }
0x93: {  	s3 =	sld [smem:$0x3FFC];
	_ =	sdelay $0x3  }
0x94: {  	_ =	strace s3  }
0x95: {  	s3 =	sld [smem:$0x3FFD];
	_ =	sdelay $0x3  }
0x96: {  	_ =	strace s3  }
0x97: {  	_ =	strace $0x8FFFFFFF  }
0x98: {  	s19 =	sld [smem:$0x3FDB];
	_ =	sdelay $0x1  }
0x99: {  	s4 =	simm.s32 $_scs_section_size  }
0x9a: {  	s5 =	simm.s32 $_size__tile_overlayer_lowered;
	s6 =	simm.s32 $_tile_overlayer_lowered  }
0x9b: {  	s22 =	simm.s32 $0x1BFF;
	s21 =	sshll.u32 s6, $0x1;
	s3 =	sadd.s32 s4, s19  }
0x9c: {  	s7 =	simm.s32 $0x0;
	s20 =	sshll.u32 s5, $0x1;
	s5 =	sadd.s32 s21, s3  }
0x9d: {  	[timem:s7], [sflag:s22] =	dma.local [hbm:s5], s20  }
0x9e: {  	_ =	swait.ge [sflag:s22], s20  }
0x9f: {  	s4 =	ssub.s32 $0x0, s20;
	[sflag:s22] =	ssyncset.done $0x0  }
0xa0: {  	[sflag:s22] =	ssyncadd.s32 s4;
	_ =	sdelay $0x1  }
0xa1: {  	s23 =	simm.s32 $0x1B8B  }
0xa2: {  	_ =	swait.ge [sflag:s23], $0x1  }
0xa3: {  	[sflag:s23] =	ssyncset.done $0x0  }
0xa4: {  	s25 =	simm.s32 $0x1B8E;
	s24 =	sld [smem:$0x3FFE];
	[sflag:s23] =	ssyncadd.s32 $0xFFFFFFFF  }
0xa5: {  	s26 =	simm.s32 $execute0_lowered;
	[smem:$0x3FD2] =	sst s25  }
0xa6: {  	s5 =	sshll.u32 s26, $0x1;
	_ =	strace $0x80000046;
	[dreg:$0x1] =	wrdreg $0xFFFFFFFF  }
0xa7: {  	s28 =	simm.s32 $_size_execute0_lowered;
	s3 =	sadd.s32 s3, s5;
	[dreg:$0x0] =	wrdreg $0x0  }
0xa8: {  	s5 =	sshll.u32 s28, $0x1;
	[dreg:$0x2] =	wrdreg s3  }
0xa9: {  	[dreg:$0x3] =	wrdreg s5  }
0xaa: {  	[dreg:$0x4] =	wrdreg $0xC0  }
0xab: {  	_ =	task [dreg:s7], $0x5FFFF  }
0xac: {  	[dreg:$0x1] =	wrdreg $0xFFFFFFFF  }
0xad: {  	[dreg:$0x0] =	wrdreg $0x60  }
0xae: {  	[dreg:$0x2] =	wrdreg s24  }
0xaf: {  	[dreg:$0x3] =	wrdreg s2  }
0xb0: {  	[dreg:$0x4] =	wrdreg $0x0  }
0xb1: {  	[dreg:$0x5] =	wrdreg $0x9  }
0xb2: {  	_ =	task.clear_ibuf [dreg:s7], $0x6FFFF;
	_ =	strace $0x90000046  }
0xb3: {  	s29 =	simm.s32 $0x9;
	_ =	strace $0x80000048  }
0xb4: {  	_ =	swait.ge [sflag:s29], $0x1  }
0xb5: {  	[sflag:s29] =	ssyncadd.s32 $0xFFFFFFFF  }
0xb6: {  	_ =	strace $0x90000048  }
0xb7: {  	_ =	sfence  }
0xb8: {  	s30 =	sld [smem:$0x0];
	_ =	sdelay $0x2  }
0xb9: {  	s31 =	sshll.u32 s1, $0xD;
	s1 =	sshrl.u32 s1, $0x2  }
0xba: {  	s3 =	sand.u32 $0x4000, s31;
	s1 =	sadd.s32 s1, s30  }
0xbb: {  	s0 =	sor.u32 s3, s0;
	s1 =	sshll.u32 s1, $0x11  }
0xbc: {  	s0 =	sor.u32 s1, s0  }
0xbd: {  	s0 =	sadd.s32 $0x8F2B, s0  }
0xbe: {  	[sflag:s0] =	ssyncadd.remote.s32 $0x1  }
0xbf: {  	_ =	sfence.sel $0xFFFF  }
0xc0: {  	[dreg:$0x0] =	wrdreg $0xFFFFFFFF;
	(pc) =	sbr.abs _section_cstart, $3  }
0xc1: {  	[dreg:$0x1] =	wrdreg $0xFFFFFFFF  }
0xc2: {  	_ =	task.clear_ibuf [dreg:s7], $0x2FFFF;
	_ =	strace $0x9FFFFFFF  }
0xc3: {  	(tm) =	ssettm $0x7FFFFFFF  }
tec
execute0_lowered:
.L_overlay_start_1:
0x0: {  	(tag) =	ssettag $0x1  }
0x1: {  	s0 =	rddreg [dreg:$0x0]  }
0x2: {  	s1 =	rddreg [dreg:$0x1]  }
0x3: {  	s2 =	rddreg [dreg:$0x2];
	s3 =	srdreg.scid;
	s4 =	simm.s32 $0x0  }
0x4: {  	s13 =	stileid.u32;
	s28 =	simm.s32 $0x1;
	s29 =	simm.s32 $0x16980  }
0x5: {  	s30 =	simm.s32 $0x50;
	s31 =	simm.s32 $0x2;
	s3 =	sand.u32 $0x1, s3  }
0x6: {  	[smem:$0x7FF] =	sst s4;
	s9 =	smul.u32 $0x14000, s13;
	s5 =	sadd.s32 $0xCA00, s0  }
0x7: {  	s6 =	sadd.s32 $0x2C00, s0;
	s7 =	sadd.s32 $0x35000, s0;
	s11 =	smul.u32 $0x50000, s13  }
0x8: {  	s14 =	sadd.s32 $0x34A00, s0;
	s18 =	sshll.u32 s13, $0x6;
	s8 =	smul.u32 $0x140000, s3  }
0x9: {  	_ =	strace $0x80000047;
	[dreg:$0x4] =	wrdreg s14;
	s10 =	ssub.s32 $0x2, s3  }
0xa: {  	s15 =	sshll.u32 s3, $0x4;
	s3 =	smul.u32 $0x27100, s3;
	s16 =	sshrl.u32 s10, $0x1  }
0xb: {  	s8 =	sadd.s32 s9, s8;
	s9 =	sor.u32 s13, s15;
	s13 =	smul.u32 $0x2710, s13  }
0xc: {  	s17 =	sshrl.u32 s11, $0x2;
	s8 =	sshrl.u32 s8, $0x3;
	s9 =	smul.u32 $0x2710, s9  }
0xd: {  	s0 =	sadd.s32 s8, s0;
	s8 =	ssub.s32 s10, s16;
	s10 =	sadd.s32 s17, s2  }
0xe: {  	s3 =	sadd.s32 s13, s3;
	[dreg:$0x5] =	wrdreg s10;
	s10 =	sor.u32 $0x1C03, s18  }
0xf: {  	s9 =	sshrl.u32 s9, $0x3;
	s12 =	sadd.s32 $0x87800, s0;
	s0 =	sadd.s32 $0x37800, s0  }
0x10: {  	s21 =	smax.u32 s8, $0x1;
	s23 =	sadd.s32 $0x50, s3;
	s24 =	sadd.s32 $0xF0, s3  }
0x11: {  	s16 =	sadd.s32 $0xA0, s3;
	s3 =	simm.s32 $0x16900;
	[dreg:$0x6] =	wrdreg s12  }
0x12: {  	s8 =	simm.s32 $0x16A00;
	s11 =	sadd.s32 s1, s9;
	[dreg:$0xa] =	wrdreg s0  }
0x13: {  	s19 =	sadd.s32 s6, s9;
	s20 =	sadd.s32 $0xA, s9;
	[dreg:$0xb] =	wrdreg s21  }
0x14: {  	s22 =	sadd.s32 $0x4D8, s9;
	s25 =	sshrl.u32 s23, $0x3;
	s26 =	sshrl.u32 s24, $0x3  }
0x15: {  	s24 =	simm.s32 $0x3;
	s0 =	simm.s32 $0x14000;
	s9 =	simm.s32 $0x0  }
0x16: {  	[dreg:$0x7] =	wrdreg s19;
	s14 =	sadd.s32 s6, s20;
	s12 =	sadd.s32 s1, s20  }
0x17: {  	s18 =	sadd.s32 s6, s22;
	s19 =	sadd.s32 s1, s22;
	s21 =	sadd.s32 s25, s1  }
0x18: {  	s22 =	sadd.s32 s26, s1;
	s23 =	sadd.s32 s26, s6;
	[dreg:$0x8] =	wrdreg s14  }
0x19: {  	s25 =	simm.s32 $0x14100;
	s26 =	simm.s32 $0x14080;
	[dreg:$0x9] =	wrdreg s12  }
.LBB2_1:
0x1a: {  	s12 =	rddreg [dreg:$0x5]  }
0x1b: {  	s12 =	sshrl.u32 s12, $0x3  }
0x1c: {  	[spmem:s12], [sflag:s10] =	dma.local [hbm:s7], $0x2800  }
0x1d: {  	_ =	swait.ge [sflag:s24], $0x2800  }
0x1e: {  	[sflag:s24] =	ssyncset.done $0x0  }
0x1f: {  	s13 =	rddreg [dreg:$0x4];
	[sflag:s24] =	ssyncadd.s32 $0xFFFFD800  }
0x20: {  	[tilespmem:s25], [sflag:$0x3] =	stream.linear.gather [hbm4b:s13+s4], $0x2800, $0x38;
	[tilespmem:$0x19200] =	vst v63  }
0x21: {  	_ =	swait.ge [sflag:s24], $0x2800  }
0x22: {  	[sflag:s24] =	ssyncset.done $0x0  }
0x23: {  	[sflag:s24] =	ssyncadd.s32 $0xFFFFD800  }
0x24: {  	[bflag:$0x0] =	sbarrier.arrive $0xFFFF  }
0x25: {  	[tilespmem:s26], [sflag:$0x1] =	stream.linear.gather [hbm4b:s11+s4], $0x50, $0x38;
	[tilespmem:$0x19200] =	vst v63  }
0x26: {  	_ =	swait.ge [sflag:s28], $0x50  }
0x27: {  	[sflag:s28] =	ssyncset.done $0x0  }
0x28: {  	s20 =	sadd.s32 $0x0, s21;
	[sflag:s28] =	ssyncadd.s32 $0xFFFFFFB0  }
0x29: {  	[tilespmem:s29], [sflag:$0x2] =	stream.linear.gather [hbm4b:s20+s4], $0x50, $0x38;
	[tilespmem:$0x19200] =	vst v63  }
0x2a: {  	_ = 	snop  }
0x2b: {  	[spmem:s2] =	stream.indirect.scatter.add.f32 [tilespmem:s25], [sflag:$0x3], $0x80, s26, s30, $0xb8;
	[tilespmem:$0x19200] =	vst v63  }
0x2c: {  	_ =	swait.ge [sflag:s24], $0x2800  }
0x2d: {  	[sflag:s24] =	ssyncset.done $0x0  }
0x2e: {  	[sflag:s24] =	ssyncadd.s32 $0xFFFFD800  }
0x2f: {  	_ =	swait.ge [sflag:s31], $0x50  }
0x30: {  	s14 =	sshrl.u32 s16, $0x3;
	[sflag:s31] =	ssyncset.done $0x0  }
0x31: {  	s13 =	sadd.s32 s1, s14;
	[sflag:s31] =	ssyncadd.s32 $0xFFFFFFB0  }
0x32: {  	[tilespmem:s26], [sflag:$0x1] =	stream.linear.gather [hbm4b:s13+s4], $0x50, $0x38;
	[tilespmem:$0x19200] =	vst v63  }
0x33: {  	_ = 	snop  }
0x34: {  	[spmem:s2] =	stream.indirect.scatter.add.f32 [tilespmem:s25], [sflag:$0x3], $0x80, s29, s30, $0xb8;
	[tilespmem:$0x19200] =	vst v63  }
0x35: {  	_ =	swait.ge [sflag:s24], $0x2800  }
0x36: {  	s15 =	simm.s32 $0x14;
	s20 =	smov.u32 s16;
	[sflag:s24] =	ssyncset.done $0x0  }
.LBB2_2:
0x37: {  	p0 =	sne.s32 s15, $0x4C4;
	[sflag:s24] =	ssyncadd.s32 $0xFFFFD800;
	s20 =	sadd.s32 $0xA0, s20  }
0x38: {  	s17 =	smov.u32 s15;
	s15 =	sadd.s32 $0x14, s15  }
0x39: {  	_ =	swait.ge [sflag:s28], $0x50  }
0x3a: {  	[sflag:s28] =	ssyncset.done $0x0  }
0x3b: {  	s17 =	sadd.s32 s17, s21;
	[sflag:s28] =	ssyncadd.s32 $0xFFFFFFB0  }
0x3c: {  	[tilespmem:s29], [sflag:$0x2] =	stream.linear.gather [hbm4b:s17+s4], $0x50, $0x38;
	[tilespmem:$0x19200] =	vst v63  }
0x3d: {  	_ = 	snop  }
0x3e: {  	[spmem:s2] =	stream.indirect.scatter.add.f32 [tilespmem:s25], [sflag:$0x3], $0x80, s26, s30, $0xb8;
	[tilespmem:$0x19200] =	vst v63  }
0x3f: {  	_ =	swait.ge [sflag:s24], $0x2800  }
0x40: {  	[sflag:s24] =	ssyncset.done $0x0  }
0x41: {  	[sflag:s24] =	ssyncadd.s32 $0xFFFFD800  }
0x42: {  	_ =	swait.ge [sflag:s31], $0x50  }
0x43: {  	s17 =	sshrl.u32 s20, $0x3;
	[sflag:s31] =	ssyncset.done $0x0  }
0x44: {  	s17 =	sadd.s32 s1, s17;
	[sflag:s31] =	ssyncadd.s32 $0xFFFFFFB0  }
0x45: {  	[tilespmem:s26], [sflag:$0x1] =	stream.linear.gather [hbm4b:s17+s4], $0x50, $0x38;
	[tilespmem:$0x19200] =	vst v63  }
.Ltmp0:
0x46: {  	_ = 	snop;
	(pc) =	sbr.rel @p0 .LBB2_2-.Ltmp0, $4  }
0x47: {  	_ = 	snop  }
0x48: {  	[spmem:s2] =	stream.indirect.scatter.add.f32 [tilespmem:s25], [sflag:$0x3], $0x80, s29, s30, $0xb8;
	[tilespmem:$0x19200] =	vst v63  }
0x49: {  	_ =	swait.ge [sflag:s24], $0x2800  }
0x4a: {  	[sflag:s24] =	ssyncset.done $0x0  }
0x4b: {  	[sflag:s24] =	ssyncadd.s32 $0xFFFFD800  }
0x4c: {  	_ =	swait.ge [sflag:s28], $0x50  }
0x4d: {  	[sflag:s28] =	ssyncset.done $0x0  }
0x4e: {  	[sflag:s28] =	ssyncadd.s32 $0xFFFFFFB0  }
0x4f: {  	[spmem:s2] =	stream.indirect.scatter.add.f32 [tilespmem:s25], [sflag:$0x3], $0x80, s26, s30, $0xb8;
	[tilespmem:$0x19200] =	vst v63  }
0x50: {  	_ =	swait.ge [sflag:s24], $0x2800  }
0x51: {  	[sflag:s24] =	ssyncset.done $0x0  }
0x52: {  	[sflag:s24] =	ssyncadd.s32 $0xFFFFD800  }
0x53: {  	[bflag:$0x0] =	sbarrier.arrive $0xFFFF  }
0x54: {  	s15 =	rddreg [dreg:$0x6]  }
0x55: {  	[hbm:s15], [sflag:s10] =	dma.local [spmem:s12], $0x2800  }
0x56: {  	_ =	swait.ge [sflag:s24], $0x2800  }
0x57: {  	[sflag:s24] =	ssyncset.done $0x0  }
0x58: {  	[sflag:s24] =	ssyncadd.s32 $0xFFFFD800  }
0x59: {  	[spmem:s12], [sflag:s10] =	dma.local [hbm:s7], $0x2800  }
0x5a: {  	_ =	swait.ge [sflag:s24], $0x2800  }
0x5b: {  	[sflag:s24] =	ssyncset.done $0x0  }
0x5c: {  	[sflag:s24] =	ssyncadd.s32 $0xFFFFD800  }
0x5d: {  	[bflag:$0x0] =	sbarrier.arrive $0xFFFF  }
0x5e: {  	s15 =	simm.s32 $0x0;
	s17 =	rddreg [dreg:$0x7]  }
0x5f: {  	[tilespmem:s0], [sflag:$0x3] =	stream.linear.gather [hbm4b:s17+s15], $0x50, $0x38;
	[tilespmem:$0x19200] =	vst v63  }
0x60: {  	_ =	swait.ge [sflag:s24], $0x50  }
0x61: {  	[sflag:s24] =	ssyncset.done $0x0  }
0x62: {  	[sflag:s24] =	ssyncadd.s32 $0xFFFFFFB0  }
0x63: {  	[tilespmem:s26], [sflag:$0x3] =	stream.linear.gather [hbm4b:s11+s15], $0x50, $0x38;
	[tilespmem:$0x19200] =	vst v63  }
0x64: {  	_ =	swait.ge [sflag:s24], $0x50  }
0x65: {  	[sflag:s24] =	ssyncset.done $0x0  }
0x66: {  	[sflag:s24] =	ssyncadd.s32 $0xFFFFFFB0  }
0x67: {  	[tilespmem:s25], [sflag:$0x1] =	stream.indirect.gather [hbm4b:s5+s30], $0x80, s0, s30, $0xb8;
	[tilespmem:$0x19200] =	vst v63  }
0x68: {  	s20 =	rddreg [dreg:$0x8]  }
0x69: {  	[tilespmem:s3], [sflag:$0x3] =	stream.linear.gather [hbm4b:s20+s15], $0x50, $0x38;
	[tilespmem:$0x19200] =	vst v63  }
0x6a: {  	_ =	swait.ge [sflag:s24], $0x50  }
0x6b: {  	[sflag:s24] =	ssyncset.done $0x0  }
0x6c: {  	s20 =	rddreg [dreg:$0x9];
	[sflag:s24] =	ssyncadd.s32 $0xFFFFFFB0  }
0x6d: {  	[tilespmem:s29], [sflag:$0x3] =	stream.linear.gather [hbm4b:s20+s15], $0x50, $0x38;
	[tilespmem:$0x19200] =	vst v63  }
0x6e: {  	_ =	swait.ge [sflag:s24], $0x50  }
0x6f: {  	[sflag:s24] =	ssyncset.done $0x0  }
0x70: {  	[sflag:s24] =	ssyncadd.s32 $0xFFFFFFB0  }
0x71: {  	[tilespmem:s8], [sflag:$0x2] =	stream.indirect.gather [hbm4b:s5+s30], $0x80, s3, s30, $0xb8;
	[tilespmem:$0x19200] =	vst v63  }
0x72: {  	_ =	swait.ge [sflag:s28], $0x2800  }
0x73: {  	[sflag:s28] =	ssyncset.done $0x0  }
0x74: {  	[sflag:s28] =	ssyncadd.s32 $0xFFFFD800  }
0x75: {  	[spmem:s2] =	stream.indirect.scatter.add.f32 [tilespmem:s25], [sflag:$0x3], $0x80, s26, s30, $0xb8;
	[tilespmem:$0x19200] =	vst v63  }
0x76: {  	_ =	swait.ge [sflag:s24], $0x2800  }
0x77: {  	[sflag:s24] =	ssyncset.done $0x0  }
0x78: {  	s14 =	sadd.s32 s6, s14;
	[sflag:s24] =	ssyncadd.s32 $0xFFFFD800  }
0x79: {  	[tilespmem:s0], [sflag:$0x3] =	stream.linear.gather [hbm4b:s14+s4], $0x50, $0x38;
	[tilespmem:$0x19200] =	vst v63  }
0x7a: {  	_ =	swait.ge [sflag:s24], $0x50  }
0x7b: {  	[sflag:s24] =	ssyncset.done $0x0  }
0x7c: {  	[sflag:s24] =	ssyncadd.s32 $0xFFFFFFB0  }
0x7d: {  	[tilespmem:s26], [sflag:$0x3] =	stream.linear.gather [hbm4b:s13+s4], $0x50, $0x38;
	[tilespmem:$0x19200] =	vst v63  }
0x7e: {  	_ =	swait.ge [sflag:s24], $0x50  }
0x7f: {  	[sflag:s24] =	ssyncset.done $0x0  }
0x80: {  	[sflag:s24] =	ssyncadd.s32 $0xFFFFFFB0  }
0x81: {  	[tilespmem:s25], [sflag:$0x1] =	stream.indirect.gather [hbm4b:s5+s30], $0x80, s0, s30, $0xb8;
	[tilespmem:$0x19200] =	vst v63  }
0x82: {  	_ =	swait.ge [sflag:s31], $0x2800  }
0x83: {  	[sflag:s31] =	ssyncset.done $0x0  }
0x84: {  	[sflag:s31] =	ssyncadd.s32 $0xFFFFD800  }
0x85: {  	[spmem:s2] =	stream.indirect.scatter.add.f32 [tilespmem:s8], [sflag:$0x3], $0x80, s29, s30, $0xb8;
	[tilespmem:$0x19200] =	vst v63  }
0x86: {  	_ =	swait.ge [sflag:s24], $0x2800  }
0x87: {  	[sflag:s24] =	ssyncset.done $0x0  }
0x88: {  	s17 =	sadd.s32 $0x0, s23;
	[sflag:s24] =	ssyncadd.s32 $0xFFFFD800  }
0x89: {  	[tilespmem:s3], [sflag:$0x3] =	stream.linear.gather [hbm4b:s17+s4], $0x50, $0x38;
	[tilespmem:$0x19200] =	vst v63  }
0x8a: {  	_ =	swait.ge [sflag:s24], $0x50  }
0x8b: {  	[sflag:s24] =	ssyncset.done $0x0  }
0x8c: {  	s20 =	sadd.s32 $0x0, s22;
	[sflag:s24] =	ssyncadd.s32 $0xFFFFFFB0  }
0x8d: {  	[tilespmem:s29], [sflag:$0x3] =	stream.linear.gather [hbm4b:s20+s4], $0x50, $0x38;
	[tilespmem:$0x19200] =	vst v63  }
0x8e: {  	_ =	swait.ge [sflag:s24], $0x50  }
0x8f: {  	[sflag:s24] =	ssyncset.done $0x0  }
0x90: {  	s14 =	sadd.s32 $0xA0, s16;
	s13 =	simm.s32 $0x14;
	[sflag:s24] =	ssyncadd.s32 $0xFFFFFFB0  }
.LBB2_4:
0x91: {  	[tilespmem:s8], [sflag:$0x2] =	stream.indirect.gather [hbm4b:s5+s30], $0x80, s3, s30, $0xb8;
	[tilespmem:$0x19200] =	vst v63  }
0x92: {  	s15 =	smov.u32 s13  }
0x93: {  	p0 =	sne.s32 s13, $0x4B0;
	s13 =	sadd.s32 $0x14, s13;
	_ =	swait.ge [sflag:s28], $0x2800  }
0x94: {  	[sflag:s28] =	ssyncset.done $0x0  }
0x95: {  	[sflag:s28] =	ssyncadd.s32 $0xFFFFD800  }
0x96: {  	[spmem:s2] =	stream.indirect.scatter.add.f32 [tilespmem:s25], [sflag:$0x3], $0x80, s26, s30, $0xb8;
	[tilespmem:$0x19200] =	vst v63  }
0x97: {  	_ =	swait.ge [sflag:s24], $0x2800  }
0x98: {  	s17 =	sshrl.u32 s14, $0x3;
	[sflag:s24] =	ssyncset.done $0x0  }
0x99: {  	s20 =	sadd.s32 s6, s17;
	[sflag:s24] =	ssyncadd.s32 $0xFFFFD800  }
0x9a: {  	[tilespmem:s0], [sflag:$0x3] =	stream.linear.gather [hbm4b:s20+s4], $0x50, $0x38;
	[tilespmem:$0x19200] =	vst v63  }
0x9b: {  	_ =	swait.ge [sflag:s24], $0x50  }
0x9c: {  	[sflag:s24] =	ssyncset.done $0x0  }
0x9d: {  	s17 =	sadd.s32 s1, s17;
	[sflag:s24] =	ssyncadd.s32 $0xFFFFFFB0  }
0x9e: {  	[tilespmem:s26], [sflag:$0x3] =	stream.linear.gather [hbm4b:s17+s4], $0x50, $0x38;
	[tilespmem:$0x19200] =	vst v63  }
0x9f: {  	_ =	swait.ge [sflag:s24], $0x50  }
0xa0: {  	[sflag:s24] =	ssyncset.done $0x0  }
0xa1: {  	[sflag:s24] =	ssyncadd.s32 $0xFFFFFFB0  }
0xa2: {  	[tilespmem:s25], [sflag:$0x1] =	stream.indirect.gather [hbm4b:s5+s30], $0x80, s0, s30, $0xb8;
	[tilespmem:$0x19200] =	vst v63  }
0xa3: {  	_ =	swait.ge [sflag:s31], $0x2800  }
0xa4: {  	[sflag:s31] =	ssyncset.done $0x0  }
0xa5: {  	[sflag:s31] =	ssyncadd.s32 $0xFFFFD800  }
0xa6: {  	[spmem:s2] =	stream.indirect.scatter.add.f32 [tilespmem:s8], [sflag:$0x3], $0x80, s29, s30, $0xb8;
	[tilespmem:$0x19200] =	vst v63  }
0xa7: {  	_ =	swait.ge [sflag:s24], $0x2800  }
0xa8: {  	[sflag:s24] =	ssyncset.done $0x0  }
0xa9: {  	s17 =	sadd.s32 s15, s23;
	[sflag:s24] =	ssyncadd.s32 $0xFFFFD800  }
0xaa: {  	[tilespmem:s3], [sflag:$0x3] =	stream.linear.gather [hbm4b:s17+s4], $0x50, $0x38;
	[tilespmem:$0x19200] =	vst v63  }
0xab: {  	_ =	swait.ge [sflag:s24], $0x50  }
0xac: {  	[sflag:s24] =	ssyncset.done $0x0  }
.Ltmp1:
0xad: {  	s15 =	sadd.s32 s15, s22;
	[sflag:s24] =	ssyncadd.s32 $0xFFFFFFB0;
	(pc) =	sbr.rel @p0 .LBB2_4-.Ltmp1, $4  }
0xae: {  	[tilespmem:s29], [sflag:$0x3] =	stream.linear.gather [hbm4b:s15+s4], $0x50, $0x38;
	[tilespmem:$0x19200] =	vst v63  }
0xaf: {  	_ =	swait.ge [sflag:s24], $0x50  }
0xb0: {  	[sflag:s24] =	ssyncset.done $0x0  }
0xb1: {  	s14 =	sadd.s32 $0xA0, s14;
	[sflag:s24] =	ssyncadd.s32 $0xFFFFFFB0  }
0xb2: {  	[tilespmem:s8], [sflag:$0x2] =	stream.indirect.gather [hbm4b:s5+s30], $0x80, s3, s30, $0xb8;
	[tilespmem:$0x19200] =	vst v63  }
0xb3: {  	_ =	swait.ge [sflag:s28], $0x2800  }
0xb4: {  	[sflag:s28] =	ssyncset.done $0x0  }
0xb5: {  	[sflag:s28] =	ssyncadd.s32 $0xFFFFD800  }
0xb6: {  	[spmem:s2] =	stream.indirect.scatter.add.f32 [tilespmem:s25], [sflag:$0x3], $0x80, s26, s30, $0xb8;
	[tilespmem:$0x19200] =	vst v63  }
0xb7: {  	_ =	swait.ge [sflag:s24], $0x2800  }
0xb8: {  	[sflag:s24] =	ssyncset.done $0x0  }
0xb9: {  	[sflag:s24] =	ssyncadd.s32 $0xFFFFD800  }
0xba: {  	[tilespmem:s0], [sflag:$0x3] =	stream.linear.gather [hbm4b:s18+s4], $0x50, $0x38;
	[tilespmem:$0x19200] =	vst v63  }
0xbb: {  	_ =	swait.ge [sflag:s24], $0x50  }
0xbc: {  	[sflag:s24] =	ssyncset.done $0x0  }
0xbd: {  	[sflag:s24] =	ssyncadd.s32 $0xFFFFFFB0  }
0xbe: {  	[tilespmem:s26], [sflag:$0x3] =	stream.linear.gather [hbm4b:s19+s4], $0x50, $0x38;
	[tilespmem:$0x19200] =	vst v63  }
0xbf: {  	_ =	swait.ge [sflag:s24], $0x50  }
0xc0: {  	[sflag:s24] =	ssyncset.done $0x0  }
0xc1: {  	[sflag:s24] =	ssyncadd.s32 $0xFFFFFFB0  }
0xc2: {  	[tilespmem:s25], [sflag:$0x1] =	stream.indirect.gather [hbm4b:s5+s30], $0x80, s0, s30, $0xb8;
	[tilespmem:$0x19200] =	vst v63  }
0xc3: {  	_ =	swait.ge [sflag:s31], $0x2800  }
0xc4: {  	[sflag:s31] =	ssyncset.done $0x0  }
0xc5: {  	[sflag:s31] =	ssyncadd.s32 $0xFFFFD800  }
0xc6: {  	[spmem:s2] =	stream.indirect.scatter.add.f32 [tilespmem:s8], [sflag:$0x3], $0x80, s29, s30, $0xb8;
	[tilespmem:$0x19200] =	vst v63  }
0xc7: {  	_ =	swait.ge [sflag:s24], $0x2800  }
0xc8: {  	[sflag:s24] =	ssyncset.done $0x0  }
0xc9: {  	[sflag:s24] =	ssyncadd.s32 $0xFFFFD800  }
0xca: {  	_ =	swait.ge [sflag:s28], $0x2800  }
0xcb: {  	[sflag:s28] =	ssyncset.done $0x0  }
0xcc: {  	[sflag:s28] =	ssyncadd.s32 $0xFFFFD800  }
0xcd: {  	[spmem:s2] =	stream.indirect.scatter.add.f32 [tilespmem:s25], [sflag:$0x3], $0x80, s26, s30, $0xb8;
	[tilespmem:$0x19200] =	vst v63  }
0xce: {  	_ =	swait.ge [sflag:s24], $0x2800  }
0xcf: {  	[sflag:s24] =	ssyncset.done $0x0  }
0xd0: {  	[sflag:s24] =	ssyncadd.s32 $0xFFFFD800  }
0xd1: {  	[bflag:$0x0] =	sbarrier.arrive $0xFFFF  }
0xd2: {  	s13 =	rddreg [dreg:$0xa]  }
0xd3: {  	[hbm:s13], [sflag:s10] =	dma.local [spmem:s12], $0x2800  }
0xd4: {  	_ =	swait.ge [sflag:s24], $0x2800  }
0xd5: {  	s9 =	sadd.s32 $0x1, s9;
	s20 =	rddreg [dreg:$0xb]  }
0xd6: {  	p0 =	sne.s32 s9, s20  }
.Ltmp2:
0xd7: {  	_ = 	snop;
	(pc) =	sbr.rel @p0 .LBB2_1-.Ltmp2, $3  }
0xd8: {  	_ =	sdelay $0x1  }
0xd9: {  	[sflag:s24] =	ssyncset.done $0x0  }
0xda: {  	[sflag:s24] =	ssyncadd.s32 $0xFFFFD800  }
0xdb: {  	_ =	sfence.sel $0x180000  }
0xdc: {  	[bflag:$0x0] =	sbarrier.arrive $0xFFFF  }
0xdd: {  	_ =	strace $0x90000047  }
0xde: {  	s0 =	stileid.u32;
	[bflag:$0x2] =	sbarrier.arrive $0xFFFF  }
0xdf: {  	p0 =	sne.s32 s0, $0x0;
	s0 =	rddreg [dreg:$0x3]  }
0xe0: {  	s0 =	sadd.s32 @!p0 $0x100000, s0  }
0xe1: {  	[sflag:s0] =	ssyncadd.tile.s32 @!p0 $0x1;
	_ =	shalt  }
.Lfunc_end2:
_tile_overlayer_lowered:
.L_overlay_start_2:
0xe2: {  	(tag) =	ssettag $0x2  }
0xe3: {  	s0 =	rddreg [dreg:$0x0];
	s2 =	stileid.u32  }
0xe4: {  	s1 =	rddreg [dreg:$0x1];
	p0 =	sne.s32 s2, $0x0  }
0xe5: {  	s3 =	rddreg [dreg:$0x2];
	[bflag:$0x3] =	sbarrier.arrive $0xFFFF;
	s2 =	simm.s32 @!p0 $0x1C03  }
0xe6: {  	[timem:s3], [sflag:s2] =	dma.local @!p0 [hbm:s0], s1  }
0xe7: {  	s0 =	simm.s32 @!p0 $0x3  }
0xe8: {  	_ =	swait.ge @!p0 [sflag:s0], s1  }
0xe9: {  	s1 =	ssub.s32 @!p0 $0x0, s1;
	[sflag:s0] =	ssyncset.done @!p0 $0x0  }
0xea: {  	[sflag:s0] =	ssyncadd.s32 @!p0 s1  }
0xeb: {  	[bflag:$0x3] =	sbarrier.arrive $0xFFFF  }
0xec: {  	_ =	shalt  }

</sc_bundles>
